<compile_context>
chip_gen: v7x
topology: tpu7x:2x2x1
jax: 0.10.2.dev20260603
libtpu: 0.0.44.dev20260713+nightly
codegen_flags: <defaults>
</compile_context>

<pallas_src>
import functools

import jax
import jax.numpy as jnp
from jax import lax
from jax.experimental import pallas as pl
from jax.experimental.pallas import tpu as pltpu
from jax.experimental.pallas import tpu_sc as plsc

VOCAB = 100000
DIM = 128
P = 200
N = 16384

NC = 2
NS = 16
NW = NC * NS
L = 16

N_PER_W = N // NW
CHUNK = 128
N_CHUNKS = N_PER_W // CHUNK
P_PER_W = 8
P_WORKERS = P // P_PER_W

D_VREGS = DIM // L


def _sigmoid(v):
  return 1.0 / (1.0 + jnp.exp(-v))


def _dot16(rows_ref, row_base, wv, out_ref, out_base):
  lane = lax.iota(jnp.int32, L)
  out_v = jnp.zeros((L,), jnp.float32)
  for r in range(L):
    row = row_base + r
    p = [rows_ref[row, pl.ds(j * L, L)] * wv[j] for j in range(D_VREGS)]
    while len(p) > 1:
      p = [p[i] + p[i + 1] for i in range(0, len(p), 2)]
    s = jnp.sum(p[0])
    out_v = jnp.where(lane == r, s, out_v)
  out_ref[pl.ds(out_base, L)] = _sigmoid(out_v)


def _w2v_body(word_hbm, pos_hbm, neg_hbm, wemb_hbm, cemb_hbm,
              out_p_hbm, out_n_hbm,
              word_v, wrow_v, idx_n_v, rows_n_v, idx_p_v,
              out_n_v, sem, psem, wsem):
  wid = lax.axis_index("s") * NC + lax.axis_index("c")
  has_pos = wid < P_WORKERS

  pltpu.sync_copy(neg_hbm.at[pl.ds(wid * N_CHUNKS, N_CHUNKS)], idx_n_v)
  copies = []
  for j in range(N_CHUNKS):
    copies.append(pltpu.async_copy(
        cemb_hbm.at[idx_n_v.at[j]], rows_n_v.at[pl.ds(j * CHUNK, CHUNK)],
        sem[j]))

  @pl.when(has_pos)
  def _():
    pltpu.sync_copy(pos_hbm.at[pl.ds(wid * P_PER_W, P_PER_W)], idx_p_v)
    pltpu.async_copy(cemb_hbm.at[idx_p_v],
                     rows_n_v.at[pl.ds(N_PER_W, P_PER_W)], psem).wait()

  pltpu.sync_copy(word_hbm, word_v)
  pltpu.async_copy(wemb_hbm.at[word_v], wrow_v, wsem).wait()
  wv = [wrow_v[0, pl.ds(j * L, L)] for j in range(D_VREGS)]

  groups_per_chunk = CHUNK // L

  def group_body(g, _):
    for j in range(N_CHUNKS):
      @pl.when(g == j * groups_per_chunk)
      def _():
        copies[j].wait()
    row = g * L
    _dot16(rows_n_v, row, wv, out_n_v, row)
    return 0

  n_groups = N_PER_W // L + has_pos.astype(jnp.int32)
  lax.fori_loop(0, n_groups, group_body, 0)

  pltpu.sync_copy(out_n_v.at[pl.ds(0, N_PER_W)],
                  out_n_hbm.at[pl.ds(wid * N_PER_W, N_PER_W)])

  @pl.when(has_pos)
  def _():
    pltpu.sync_copy(out_n_v.at[pl.ds(N_PER_W, P_PER_W)],
                    out_p_hbm.at[pl.ds(wid * P_PER_W, P_PER_W)])


@jax.jit
def _w2v(word, positive_contexts, negative_contexts, word_embeddings,
         context_embeddings):
  mesh = plsc.VectorSubcoreMesh(
      core_axis_name="c", subcore_axis_name="s", num_cores=NC,
      num_subcores=NS)
  neg2d = negative_contexts.reshape(N // CHUNK, CHUNK)
  out_p, out_n = pl.kernel(
      _w2v_body,
      out_type=(
          jax.ShapeDtypeStruct((P,), jnp.float32),
          jax.ShapeDtypeStruct((N,), jnp.float32),
      ),
      mesh=mesh,
      compiler_params=pltpu.CompilerParams(needs_layout_passes=False),
      scratch_types=[
          pltpu.VMEM((1,), jnp.int32),
          pltpu.VMEM((1, DIM), jnp.float32),
          pltpu.VMEM((N_CHUNKS, CHUNK), jnp.int32),
          pltpu.VMEM((N_PER_W + L, DIM), jnp.float32),
          pltpu.VMEM((P_PER_W,), jnp.int32),
          pltpu.VMEM((N_PER_W + L,), jnp.float32),
          [pltpu.SemaphoreType.DMA] * N_CHUNKS,
          pltpu.SemaphoreType.DMA,
          pltpu.SemaphoreType.DMA,
      ],
  )(word, positive_contexts, neg2d, word_embeddings, context_embeddings)
  return out_p, out_n


def kernel(word, positive_contexts, negative_contexts, word_embeddings,
           context_embeddings):
  word = word.astype(jnp.int32)
  positive_contexts = positive_contexts.astype(jnp.int32)
  negative_contexts = negative_contexts.astype(jnp.int32)
  return _w2v(word, positive_contexts, negative_contexts, word_embeddings,
              context_embeddings)

# --- scband reference (transcript-rebuilt; emitter-appended) ---
"""Pipeline reference for scband-word2-vec-26199300505890 (READ-ONLY COPY).

The authoritative reference and input builder live on the scoring server;
editing this copy changes nothing except your own understanding.
"""

import jax, jax.numpy as jnp
import numpy as np

VOCAB = 100000
DIM = 128
P = 200
N = 16384

def setup_inputs(seed: int = 0) -> dict:
    key = jax.random.key(seed)
    k1, k2, k3, k4, k5 = jax.random.split(key, 5)
    word = jax.random.randint(k1, (1,), 0, VOCAB)
    positive_contexts = jax.random.randint(k2, (P,), 0, VOCAB)
    negative_contexts = jax.random.randint(k3, (N,), 0, VOCAB)
    word_embeddings = jax.random.normal(k4, (VOCAB, DIM), dtype=jnp.float32) * 0.02
    context_embeddings = jax.random.normal(k5, (VOCAB, DIM), dtype=jnp.float32) * 0.02
    # padding_idx=0: row 0 is zero-initialized in torch nn.Embedding
    word_embeddings = word_embeddings.at[0].set(0.0)
    context_embeddings = context_embeddings.at[0].set(0.0)
    return {
        "word": word,
        "positive_contexts": positive_contexts,
        "negative_contexts": negative_contexts,
        "word_embeddings": word_embeddings,
        "context_embeddings": context_embeddings,
    }

def reference(word, positive_contexts, negative_contexts, word_embeddings, context_embeddings):
    w = jnp.take(word_embeddings, word, axis=0)                 # [1, D]
    c_p = jnp.take(context_embeddings, positive_contexts, axis=0)  # [P, D]
    c_n = jnp.take(context_embeddings, negative_contexts, axis=0)  # [N, D]
    w_p = jnp.tile(w, (positive_contexts.shape[0], 1))           # [P, D]
    w_n = jnp.tile(w, (negative_contexts.shape[0], 1))           # [N, D]
    w_c_p = jnp.einsum('ij,ij->i', w_p, c_p)
    w_c_n = jnp.einsum('ij,ij->i', w_n, c_n)
    return (jax.nn.sigmoid(w_c_p), jax.nn.sigmoid(w_c_n))

if __name__ == "__main__":
    import jax
    _d = setup_inputs()
    print(jax.jit(kernel)(*tuple(_d.values())))

</pallas_src>

<mosaic_0001>
#map = affine_map<(d0, d1) -> (0)>
#map1 = affine_map<(d0, d1) -> (0, 0)>
module attributes {stable_mosaic.version = 14 : i64} {
  func.func @_w2v_body(%arg0: i32, %arg1: i32, %arg2: memref<1xi32, #tpu.memory_space<hbm>>, %arg3: memref<200xi32, #tpu.memory_space<hbm>>, %arg4: memref<128x128xi32, #tpu.memory_space<hbm>>, %arg5: memref<100000x128xf32, #tpu.memory_space<hbm>>, %arg6: memref<100000x128xf32, #tpu.memory_space<hbm>>, %arg7: memref<200xf32, #tpu.memory_space<hbm>>, %arg8: memref<16384xf32, #tpu.memory_space<hbm>>, %arg9: memref<1xi32, #tpu.memory_space<vmem>>, %arg10: memref<1x128xf32, #tpu.memory_space<vmem>>, %arg11: memref<4x128xi32, #tpu.memory_space<vmem>>, %arg12: memref<528x128xf32, #tpu.memory_space<vmem>>, %arg13: memref<8xi32, #tpu.memory_space<vmem>>, %arg14: memref<528xf32, #tpu.memory_space<vmem>>, %arg15: memref<!tpu.dma_semaphore, #tpu.memory_space<semaphore_mem>>, %arg16: memref<!tpu.dma_semaphore, #tpu.memory_space<semaphore_mem>>, %arg17: memref<!tpu.dma_semaphore, #tpu.memory_space<semaphore_mem>>, %arg18: memref<!tpu.dma_semaphore, #tpu.memory_space<semaphore_mem>>, %arg19: memref<!tpu.dma_semaphore, #tpu.memory_space<semaphore_mem>>, %arg20: memref<!tpu.dma_semaphore, #tpu.memory_space<semaphore_mem>>) attributes {dimension_semantics = [#tpu.dimension_semantics<core_parallel>, #tpu.dimension_semantics<subcore_parallel>], iteration_bounds = array<i64: 2, 16>, scalar_prefetch = 0 : i64, scratch_operands = 12 : i64, tpu.core_type = #tpu.core_type<sc_vector_subcore>, window_params = [{transform_indices = #map}, {transform_indices = #map}, {transform_indices = #map1}, {transform_indices = #map1}, {transform_indices = #map1}, {transform_indices = #map}, {transform_indices = #map}]} {
    %mul3A = arith.constant 2 : i32
    %mul3A_0 = arith.muli %arg1, %mul3A : i32
    %add3A = arith.addi %mul3A_0, %arg0 : i32
    %lt3A = arith.constant 25 : i32
    %lt3A_1 = arith.cmpi slt, %add3A, %lt3A : i32
    %mul3A_2 = arith.constant 4 : i32
    %mul3A_3 = arith.muli %add3A, %mul3A_2 : i32
    "tpu.region"() ({
      %run_scoped3A = tpu.sem_alloc : memref<!tpu.dma_semaphore, #tpu.memory_space<semaphore_mem>>
      %dma_start3A_103 = arith.constant 0 : i32
      %dma_start3A_104 = tpu.memref_slice %arg4[%mul3A_3, %dma_start3A_103] : memref<128x128xi32, #tpu.memory_space<hbm>> -> memref<4x128xi32, #tpu.memory_space<hbm>>
      %dma_start3A_105 = arith.constant 0 : i32
      %dma_start3A_106 = tpu.memref_slice %arg4[%mul3A_3, %dma_start3A_105] : memref<128x128xi32, #tpu.memory_space<hbm>> -> memref<4x128xi32, #tpu.memory_space<hbm>>
      tpu.enqueue_dma source(%dma_start3A_106 : memref<4x128xi32, #tpu.memory_space<hbm>>) target(%arg11 : memref<4x128xi32, #tpu.memory_space<vmem>>) target_semaphore(%run_scoped3A : memref<!tpu.dma_semaphore, #tpu.memory_space<semaphore_mem>>)
      %dma_wait3A_107 = arith.constant 0 : i32
      %dma_wait3A_108 = tpu.memref_slice %arg4[%mul3A_3, %dma_wait3A_107] : memref<128x128xi32, #tpu.memory_space<hbm>> -> memref<4x128xi32, #tpu.memory_space<hbm>>
      %dma_wait3A_109 = arith.constant 0 : i32
      %dma_wait3A_110 = tpu.memref_slice %arg4[%mul3A_3, %dma_wait3A_109] : memref<128x128xi32, #tpu.memory_space<hbm>> -> memref<4x128xi32, #tpu.memory_space<hbm>>
      tpu.wait_dma2 semaphore(%run_scoped3A : memref<!tpu.dma_semaphore, #tpu.memory_space<semaphore_mem>>) src(%dma_wait3A_110 : memref<4x128xi32, #tpu.memory_space<hbm>>) dst(%arg11 : memref<4x128xi32, #tpu.memory_space<vmem>>)
      tpu.yield
    }) : () -> ()
    %dma_start3A = arith.constant 0 : i32
    %dma_start3A_4 = arith.constant 0 : i32
    %dma_start3A_5 = arith.constant 0 : i32
    %dma_start3A_6 = tpu.memref_slice %arg12[%dma_start3A_4, %dma_start3A_5] : memref<528x128xf32, #tpu.memory_space<vmem>> -> memref<128x128xf32, #tpu.memory_space<vmem>>
    %dma_start3A_7 = arith.constant 0 : i32
    %dma_start3A_8 = tpu.memref_slice %arg11[%dma_start3A, %dma_start3A_7] : memref<4x128xi32, #tpu.memory_space<vmem>> -> memref<1x128xi32, #tpu.memory_space<vmem>>
    %dma_start3A_9 = tpu.memref_squeeze %dma_start3A_8 : memref<1x128xi32, #tpu.memory_space<vmem>> -> memref<128xi32, #tpu.memory_space<vmem>>
    %dma_start3A_10 = arith.constant 0 : i32
    %dma_start3A_11 = arith.constant 0 : i32
    %dma_start3A_12 = tpu.memref_slice %arg6[%dma_start3A_10, %dma_start3A_11] : memref<100000x128xf32, #tpu.memory_space<hbm>> -> memref<100000x128xf32, #tpu.memory_space<hbm>>
    tpu.enqueue_indirect_dma source(%dma_start3A_12 : memref<100000x128xf32, #tpu.memory_space<hbm>>) target(%dma_start3A_6 : memref<128x128xf32, #tpu.memory_space<vmem>>) offsets(%dma_start3A_9 : memref<128xi32, #tpu.memory_space<vmem>>) semaphore(%arg15 : memref<!tpu.dma_semaphore, #tpu.memory_space<semaphore_mem>>)
    %dma_start3A_13 = arith.constant 1 : i32
    %dma_start3A_14 = arith.constant 128 : i32
    %dma_start3A_15 = arith.constant 0 : i32
    %dma_start3A_16 = tpu.memref_slice %arg12[%dma_start3A_14, %dma_start3A_15] : memref<528x128xf32, #tpu.memory_space<vmem>> -> memref<128x128xf32, #tpu.memory_space<vmem>>
    %dma_start3A_17 = arith.constant 0 : i32
    %dma_start3A_18 = tpu.memref_slice %arg11[%dma_start3A_13, %dma_start3A_17] : memref<4x128xi32, #tpu.memory_space<vmem>> -> memref<1x128xi32, #tpu.memory_space<vmem>>
    %dma_start3A_19 = tpu.memref_squeeze %dma_start3A_18 : memref<1x128xi32, #tpu.memory_space<vmem>> -> memref<128xi32, #tpu.memory_space<vmem>>
    %dma_start3A_20 = arith.constant 0 : i32
    %dma_start3A_21 = arith.constant 0 : i32
    %dma_start3A_22 = tpu.memref_slice %arg6[%dma_start3A_20, %dma_start3A_21] : memref<100000x128xf32, #tpu.memory_space<hbm>> -> memref<100000x128xf32, #tpu.memory_space<hbm>>
    tpu.enqueue_indirect_dma source(%dma_start3A_22 : memref<100000x128xf32, #tpu.memory_space<hbm>>) target(%dma_start3A_16 : memref<128x128xf32, #tpu.memory_space<vmem>>) offsets(%dma_start3A_19 : memref<128xi32, #tpu.memory_space<vmem>>) semaphore(%arg16 : memref<!tpu.dma_semaphore, #tpu.memory_space<semaphore_mem>>)
    %dma_start3A_23 = arith.constant 2 : i32
    %dma_start3A_24 = arith.constant 256 : i32
    %dma_start3A_25 = arith.constant 0 : i32
    %dma_start3A_26 = tpu.memref_slice %arg12[%dma_start3A_24, %dma_start3A_25] : memref<528x128xf32, #tpu.memory_space<vmem>> -> memref<128x128xf32, #tpu.memory_space<vmem>>
    %dma_start3A_27 = arith.constant 0 : i32
    %dma_start3A_28 = tpu.memref_slice %arg11[%dma_start3A_23, %dma_start3A_27] : memref<4x128xi32, #tpu.memory_space<vmem>> -> memref<1x128xi32, #tpu.memory_space<vmem>>
    %dma_start3A_29 = tpu.memref_squeeze %dma_start3A_28 : memref<1x128xi32, #tpu.memory_space<vmem>> -> memref<128xi32, #tpu.memory_space<vmem>>
    %dma_start3A_30 = arith.constant 0 : i32
    %dma_start3A_31 = arith.constant 0 : i32
    %dma_start3A_32 = tpu.memref_slice %arg6[%dma_start3A_30, %dma_start3A_31] : memref<100000x128xf32, #tpu.memory_space<hbm>> -> memref<100000x128xf32, #tpu.memory_space<hbm>>
    tpu.enqueue_indirect_dma source(%dma_start3A_32 : memref<100000x128xf32, #tpu.memory_space<hbm>>) target(%dma_start3A_26 : memref<128x128xf32, #tpu.memory_space<vmem>>) offsets(%dma_start3A_29 : memref<128xi32, #tpu.memory_space<vmem>>) semaphore(%arg17 : memref<!tpu.dma_semaphore, #tpu.memory_space<semaphore_mem>>)
    %dma_start3A_33 = arith.constant 3 : i32
    %dma_start3A_34 = arith.constant 384 : i32
    %dma_start3A_35 = arith.constant 0 : i32
    %dma_start3A_36 = tpu.memref_slice %arg12[%dma_start3A_34, %dma_start3A_35] : memref<528x128xf32, #tpu.memory_space<vmem>> -> memref<128x128xf32, #tpu.memory_space<vmem>>
    %dma_start3A_37 = arith.constant 0 : i32
    %dma_start3A_38 = tpu.memref_slice %arg11[%dma_start3A_33, %dma_start3A_37] : memref<4x128xi32, #tpu.memory_space<vmem>> -> memref<1x128xi32, #tpu.memory_space<vmem>>
    %dma_start3A_39 = tpu.memref_squeeze %dma_start3A_38 : memref<1x128xi32, #tpu.memory_space<vmem>> -> memref<128xi32, #tpu.memory_space<vmem>>
    %dma_start3A_40 = arith.constant 0 : i32
    %dma_start3A_41 = arith.constant 0 : i32
    %dma_start3A_42 = tpu.memref_slice %arg6[%dma_start3A_40, %dma_start3A_41] : memref<100000x128xf32, #tpu.memory_space<hbm>> -> memref<100000x128xf32, #tpu.memory_space<hbm>>
    tpu.enqueue_indirect_dma source(%dma_start3A_42 : memref<100000x128xf32, #tpu.memory_space<hbm>>) target(%dma_start3A_36 : memref<128x128xf32, #tpu.memory_space<vmem>>) offsets(%dma_start3A_39 : memref<128xi32, #tpu.memory_space<vmem>>) semaphore(%arg18 : memref<!tpu.dma_semaphore, #tpu.memory_space<semaphore_mem>>)
    %convert_element_type3A = arith.extui %lt3A_1 : i1 to i32
    %cond3A = arith.constant 0 : i32
    %cond3A_43 = arith.cmpi ne, %convert_element_type3A, %cond3A : i32
    scf.if %cond3A_43 {
      %mul3A_103 = arith.constant 8 : i32
      %mul3A_104 = arith.muli %add3A, %mul3A_103 : i32
      "tpu.region"() ({
        %run_scoped3A = tpu.sem_alloc : memref<!tpu.dma_semaphore, #tpu.memory_space<semaphore_mem>>
        %dma_start3A_117 = tpu.memref_slice %arg3[%mul3A_104] : memref<200xi32, #tpu.memory_space<hbm>> -> memref<8xi32, #tpu.memory_space<hbm>>
        %dma_start3A_118 = tpu.memref_slice %arg3[%mul3A_104] : memref<200xi32, #tpu.memory_space<hbm>> -> memref<8xi32, #tpu.memory_space<hbm>>
        tpu.enqueue_dma source(%dma_start3A_118 : memref<8xi32, #tpu.memory_space<hbm>>) target(%arg13 : memref<8xi32, #tpu.memory_space<vmem>>) target_semaphore(%run_scoped3A : memref<!tpu.dma_semaphore, #tpu.memory_space<semaphore_mem>>)
        %dma_wait3A_119 = tpu.memref_slice %arg3[%mul3A_104] : memref<200xi32, #tpu.memory_space<hbm>> -> memref<8xi32, #tpu.memory_space<hbm>>
        %dma_wait3A_120 = tpu.memref_slice %arg3[%mul3A_104] : memref<200xi32, #tpu.memory_space<hbm>> -> memref<8xi32, #tpu.memory_space<hbm>>
        tpu.wait_dma2 semaphore(%run_scoped3A : memref<!tpu.dma_semaphore, #tpu.memory_space<semaphore_mem>>) src(%dma_wait3A_120 : memref<8xi32, #tpu.memory_space<hbm>>) dst(%arg13 : memref<8xi32, #tpu.memory_space<vmem>>)
        tpu.yield
      }) : () -> ()
      %dma_start3A_105 = arith.constant 512 : i32
      %dma_start3A_106 = arith.constant 0 : i32
      %dma_start3A_107 = tpu.memref_slice %arg12[%dma_start3A_105, %dma_start3A_106] : memref<528x128xf32, #tpu.memory_space<vmem>> -> memref<8x128xf32, #tpu.memory_space<vmem>>
      %dma_start3A_108 = arith.constant 0 : i32
      %dma_start3A_109 = arith.constant 0 : i32
      %dma_start3A_110 = tpu.memref_slice %arg6[%dma_start3A_108, %dma_start3A_109] : memref<100000x128xf32, #tpu.memory_space<hbm>> -> memref<100000x128xf32, #tpu.memory_space<hbm>>
      tpu.enqueue_indirect_dma source(%dma_start3A_110 : memref<100000x128xf32, #tpu.memory_space<hbm>>) target(%dma_start3A_107 : memref<8x128xf32, #tpu.memory_space<vmem>>) offsets(%arg13 : memref<8xi32, #tpu.memory_space<vmem>>) semaphore(%arg19 : memref<!tpu.dma_semaphore, #tpu.memory_space<semaphore_mem>>)
      %dma_wait3A_111 = arith.constant 512 : i32
      %dma_wait3A_112 = arith.constant 0 : i32
      %dma_wait3A_113 = tpu.memref_slice %arg12[%dma_wait3A_111, %dma_wait3A_112] : memref<528x128xf32, #tpu.memory_space<vmem>> -> memref<8x128xf32, #tpu.memory_space<vmem>>
      %dma_wait3A_114 = arith.constant 0 : i32
      %dma_wait3A_115 = arith.constant 0 : i32
      %dma_wait3A_116 = tpu.memref_slice %arg6[%dma_wait3A_114, %dma_wait3A_115] : memref<100000x128xf32, #tpu.memory_space<hbm>> -> memref<100000x128xf32, #tpu.memory_space<hbm>>
      tpu.wait_indirect_dma semaphore(%arg19 : memref<!tpu.dma_semaphore, #tpu.memory_space<semaphore_mem>>) src(%dma_wait3A_116 : memref<100000x128xf32, #tpu.memory_space<hbm>>) dst(%dma_wait3A_113 : memref<8x128xf32, #tpu.memory_space<vmem>>)
    } else {
    }
    "tpu.region"() ({
      %run_scoped3A = tpu.sem_alloc : memref<!tpu.dma_semaphore, #tpu.memory_space<semaphore_mem>>
      tpu.enqueue_dma source(%arg2 : memref<1xi32, #tpu.memory_space<hbm>>) target(%arg9 : memref<1xi32, #tpu.memory_space<vmem>>) target_semaphore(%run_scoped3A : memref<!tpu.dma_semaphore, #tpu.memory_space<semaphore_mem>>)
      tpu.wait_dma2 semaphore(%run_scoped3A : memref<!tpu.dma_semaphore, #tpu.memory_space<semaphore_mem>>) src(%arg2 : memref<1xi32, #tpu.memory_space<hbm>>) dst(%arg9 : memref<1xi32, #tpu.memory_space<vmem>>)
      tpu.yield
    }) : () -> ()
    %dma_start3A_44 = arith.constant 0 : i32
    %dma_start3A_45 = arith.constant 0 : i32
    %dma_start3A_46 = tpu.memref_slice %arg5[%dma_start3A_44, %dma_start3A_45] : memref<100000x128xf32, #tpu.memory_space<hbm>> -> memref<100000x128xf32, #tpu.memory_space<hbm>>
    tpu.enqueue_indirect_dma source(%dma_start3A_46 : memref<100000x128xf32, #tpu.memory_space<hbm>>) target(%arg10 : memref<1x128xf32, #tpu.memory_space<vmem>>) offsets(%arg9 : memref<1xi32, #tpu.memory_space<vmem>>) semaphore(%arg20 : memref<!tpu.dma_semaphore, #tpu.memory_space<semaphore_mem>>)
    %dma_wait3A = arith.constant 0 : i32
    %dma_wait3A_47 = arith.constant 0 : i32
    %dma_wait3A_48 = tpu.memref_slice %arg5[%dma_wait3A, %dma_wait3A_47] : memref<100000x128xf32, #tpu.memory_space<hbm>> -> memref<100000x128xf32, #tpu.memory_space<hbm>>
    tpu.wait_indirect_dma semaphore(%arg20 : memref<!tpu.dma_semaphore, #tpu.memory_space<semaphore_mem>>) src(%dma_wait3A_48 : memref<100000x128xf32, #tpu.memory_space<hbm>>) dst(%arg10 : memref<1x128xf32, #tpu.memory_space<vmem>>)
    %get3A = arith.constant 0 : i32
    %get3A_49 = arith.index_cast %get3A : i32 to index
    %get3A_50 = arith.constant 0 : index
    %get3A_51 = tpu.vector_load %arg10[%get3A_49, %get3A_50] {strides = array<i32>} : memref<1x128xf32, #tpu.memory_space<vmem>>, vector<16xf32>,
    %get3A_52 = arith.constant 0 : i32
    %get3A_53 = arith.index_cast %get3A_52 : i32 to index
    %get3A_54 = arith.constant 16 : index
    %get3A_55 = tpu.vector_load %arg10[%get3A_53, %get3A_54] {strides = array<i32>} : memref<1x128xf32, #tpu.memory_space<vmem>>, vector<16xf32>,
    %get3A_56 = arith.constant 0 : i32
    %get3A_57 = arith.index_cast %get3A_56 : i32 to index
    %get3A_58 = arith.constant 32 : index
    %get3A_59 = tpu.vector_load %arg10[%get3A_57, %get3A_58] {strides = array<i32>} : memref<1x128xf32, #tpu.memory_space<vmem>>, vector<16xf32>,
    %get3A_60 = arith.constant 0 : i32
    %get3A_61 = arith.index_cast %get3A_60 : i32 to index
    %get3A_62 = arith.constant 48 : index
    %get3A_63 = tpu.vector_load %arg10[%get3A_61, %get3A_62] {strides = array<i32>} : memref<1x128xf32, #tpu.memory_space<vmem>>, vector<16xf32>,
    %get3A_64 = arith.constant 0 : i32
    %get3A_65 = arith.index_cast %get3A_64 : i32 to index
    %get3A_66 = arith.constant 64 : index
    %get3A_67 = tpu.vector_load %arg10[%get3A_65, %get3A_66] {strides = array<i32>} : memref<1x128xf32, #tpu.memory_space<vmem>>, vector<16xf32>,
    %get3A_68 = arith.constant 0 : i32
    %get3A_69 = arith.index_cast %get3A_68 : i32 to index
    %get3A_70 = arith.constant 80 : index
    %get3A_71 = tpu.vector_load %arg10[%get3A_69, %get3A_70] {strides = array<i32>} : memref<1x128xf32, #tpu.memory_space<vmem>>, vector<16xf32>,
    %get3A_72 = arith.constant 0 : i32
    %get3A_73 = arith.index_cast %get3A_72 : i32 to index
    %get3A_74 = arith.constant 96 : index
    %get3A_75 = tpu.vector_load %arg10[%get3A_73, %get3A_74] {strides = array<i32>} : memref<1x128xf32, #tpu.memory_space<vmem>>, vector<16xf32>,
    %get3A_76 = arith.constant 0 : i32
    %get3A_77 = arith.index_cast %get3A_76 : i32 to index
    %get3A_78 = arith.constant 112 : index
    %get3A_79 = tpu.vector_load %arg10[%get3A_77, %get3A_78] {strides = array<i32>} : memref<1x128xf32, #tpu.memory_space<vmem>>, vector<16xf32>,
    %convert_element_type3A_80 = arith.extui %lt3A_1 : i1 to i32
    %add3A_81 = arith.constant 32 : i32
    %add3A_82 = arith.addi %add3A_81, %convert_element_type3A_80 : i32
    %while3A = arith.constant 0 : i32
    %while3A_83 = arith.constant 1 : i32
    %while3A_84 = arith.constant 2 : i32
    %while3A_85 = arith.constant 3 : i32
    %while3A_86 = arith.constant 0 : i32
    %while3A_87 = arith.constant 0 : i32
    %while3A_88 = arith.subi %add3A_82, %while3A_86 : i32
    %while3A_89 = arith.addi %while3A_86, %while3A_88 : i32
    %while3A_90 = arith.constant 1 : i32
    %while3A_91 = arith.divsi %while3A_88, %while3A_90 : i32
    %while3A_92 = arith.muli %while3A_91, %while3A_90 : i32
    %while3A_93 = arith.addi %while3A_86, %while3A_92 : i32
    %while3A_94 = arith.constant 1 : i32
    %while3A_95 = scf.for %while3A_103 = %while3A_86 to %while3A_93 step %while3A_94 iter_args(%while3A_104 = %while3A_87) -> (i32)  : i32 {
      %eq3A = arith.constant 0 : i32
      %eq3A_105 = arith.cmpi eq, %while3A_103, %eq3A : i32
      %convert_element_type3A_106 = arith.extui %eq3A_105 : i1 to i32
      %cond3A_107 = arith.constant 0 : i32
      %cond3A_108 = arith.cmpi ne, %convert_element_type3A_106, %cond3A_107 : i32
      scf.if %cond3A_108 {
        %dma_wait3A_934 = arith.constant 0 : i32
        %dma_wait3A_935 = arith.constant 0 : i32
        %dma_wait3A_936 = tpu.memref_slice %arg12[%dma_wait3A_934, %dma_wait3A_935] : memref<528x128xf32, #tpu.memory_space<vmem>> -> memref<128x128xf32, #tpu.memory_space<vmem>>
        %dma_wait3A_937 = arith.constant 0 : i32
        %dma_wait3A_938 = tpu.memref_slice %arg11[%while3A, %dma_wait3A_937] : memref<4x128xi32, #tpu.memory_space<vmem>> -> memref<1x128xi32, #tpu.memory_space<vmem>>
        %dma_wait3A_939 = tpu.memref_squeeze %dma_wait3A_938 : memref<1x128xi32, #tpu.memory_space<vmem>> -> memref<128xi32, #tpu.memory_space<vmem>>
        %dma_wait3A_940 = arith.constant 0 : i32
        %dma_wait3A_941 = arith.constant 0 : i32
        %dma_wait3A_942 = tpu.memref_slice %arg6[%dma_wait3A_940, %dma_wait3A_941] : memref<100000x128xf32, #tpu.memory_space<hbm>> -> memref<100000x128xf32, #tpu.memory_space<hbm>>
        tpu.wait_indirect_dma semaphore(%arg15 : memref<!tpu.dma_semaphore, #tpu.memory_space<semaphore_mem>>) src(%dma_wait3A_942 : memref<100000x128xf32, #tpu.memory_space<hbm>>) dst(%dma_wait3A_936 : memref<128x128xf32, #tpu.memory_space<vmem>>)
      } else {
      }
      %eq3A_109 = arith.constant 8 : i32
      %eq3A_110 = arith.cmpi eq, %while3A_103, %eq3A_109 : i32
      %convert_element_type3A_111 = arith.extui %eq3A_110 : i1 to i32
      %cond3A_112 = arith.constant 0 : i32
      %cond3A_113 = arith.cmpi ne, %convert_element_type3A_111, %cond3A_112 : i32
      scf.if %cond3A_113 {
        %dma_wait3A_934 = arith.constant 128 : i32
        %dma_wait3A_935 = arith.constant 0 : i32
        %dma_wait3A_936 = tpu.memref_slice %arg12[%dma_wait3A_934, %dma_wait3A_935] : memref<528x128xf32, #tpu.memory_space<vmem>> -> memref<128x128xf32, #tpu.memory_space<vmem>>
        %dma_wait3A_937 = arith.constant 0 : i32
        %dma_wait3A_938 = tpu.memref_slice %arg11[%while3A_83, %dma_wait3A_937] : memref<4x128xi32, #tpu.memory_space<vmem>> -> memref<1x128xi32, #tpu.memory_space<vmem>>
        %dma_wait3A_939 = tpu.memref_squeeze %dma_wait3A_938 : memref<1x128xi32, #tpu.memory_space<vmem>> -> memref<128xi32, #tpu.memory_space<vmem>>
        %dma_wait3A_940 = arith.constant 0 : i32
        %dma_wait3A_941 = arith.constant 0 : i32
        %dma_wait3A_942 = tpu.memref_slice %arg6[%dma_wait3A_940, %dma_wait3A_941] : memref<100000x128xf32, #tpu.memory_space<hbm>> -> memref<100000x128xf32, #tpu.memory_space<hbm>>
        tpu.wait_indirect_dma semaphore(%arg16 : memref<!tpu.dma_semaphore, #tpu.memory_space<semaphore_mem>>) src(%dma_wait3A_942 : memref<100000x128xf32, #tpu.memory_space<hbm>>) dst(%dma_wait3A_936 : memref<128x128xf32, #tpu.memory_space<vmem>>)
      } else {
      }
      %eq3A_114 = arith.constant 16 : i32
      %eq3A_115 = arith.cmpi eq, %while3A_103, %eq3A_114 : i32
      %convert_element_type3A_116 = arith.extui %eq3A_115 : i1 to i32
      %cond3A_117 = arith.constant 0 : i32
      %cond3A_118 = arith.cmpi ne, %convert_element_type3A_116, %cond3A_117 : i32
      scf.if %cond3A_118 {
        %dma_wait3A_934 = arith.constant 256 : i32
        %dma_wait3A_935 = arith.constant 0 : i32
        %dma_wait3A_936 = tpu.memref_slice %arg12[%dma_wait3A_934, %dma_wait3A_935] : memref<528x128xf32, #tpu.memory_space<vmem>> -> memref<128x128xf32, #tpu.memory_space<vmem>>
        %dma_wait3A_937 = arith.constant 0 : i32
        %dma_wait3A_938 = tpu.memref_slice %arg11[%while3A_84, %dma_wait3A_937] : memref<4x128xi32, #tpu.memory_space<vmem>> -> memref<1x128xi32, #tpu.memory_space<vmem>>
        %dma_wait3A_939 = tpu.memref_squeeze %dma_wait3A_938 : memref<1x128xi32, #tpu.memory_space<vmem>> -> memref<128xi32, #tpu.memory_space<vmem>>
        %dma_wait3A_940 = arith.constant 0 : i32
        %dma_wait3A_941 = arith.constant 0 : i32
        %dma_wait3A_942 = tpu.memref_slice %arg6[%dma_wait3A_940, %dma_wait3A_941] : memref<100000x128xf32, #tpu.memory_space<hbm>> -> memref<100000x128xf32, #tpu.memory_space<hbm>>
        tpu.wait_indirect_dma semaphore(%arg17 : memref<!tpu.dma_semaphore, #tpu.memory_space<semaphore_mem>>) src(%dma_wait3A_942 : memref<100000x128xf32, #tpu.memory_space<hbm>>) dst(%dma_wait3A_936 : memref<128x128xf32, #tpu.memory_space<vmem>>)
      } else {
      }
      %eq3A_119 = arith.constant 24 : i32
      %eq3A_120 = arith.cmpi eq, %while3A_103, %eq3A_119 : i32
      %convert_element_type3A_121 = arith.extui %eq3A_120 : i1 to i32
      %cond3A_122 = arith.constant 0 : i32
      %cond3A_123 = arith.cmpi ne, %convert_element_type3A_121, %cond3A_122 : i32
      scf.if %cond3A_123 {
        %dma_wait3A_934 = arith.constant 384 : i32
        %dma_wait3A_935 = arith.constant 0 : i32
        %dma_wait3A_936 = tpu.memref_slice %arg12[%dma_wait3A_934, %dma_wait3A_935] : memref<528x128xf32, #tpu.memory_space<vmem>> -> memref<128x128xf32, #tpu.memory_space<vmem>>
        %dma_wait3A_937 = arith.constant 0 : i32
        %dma_wait3A_938 = tpu.memref_slice %arg11[%while3A_85, %dma_wait3A_937] : memref<4x128xi32, #tpu.memory_space<vmem>> -> memref<1x128xi32, #tpu.memory_space<vmem>>
        %dma_wait3A_939 = tpu.memref_squeeze %dma_wait3A_938 : memref<1x128xi32, #tpu.memory_space<vmem>> -> memref<128xi32, #tpu.memory_space<vmem>>
        %dma_wait3A_940 = arith.constant 0 : i32
        %dma_wait3A_941 = arith.constant 0 : i32
        %dma_wait3A_942 = tpu.memref_slice %arg6[%dma_wait3A_940, %dma_wait3A_941] : memref<100000x128xf32, #tpu.memory_space<hbm>> -> memref<100000x128xf32, #tpu.memory_space<hbm>>
        tpu.wait_indirect_dma semaphore(%arg18 : memref<!tpu.dma_semaphore, #tpu.memory_space<semaphore_mem>>) src(%dma_wait3A_942 : memref<100000x128xf32, #tpu.memory_space<hbm>>) dst(%dma_wait3A_936 : memref<128x128xf32, #tpu.memory_space<vmem>>)
      } else {
      }
      %mul3A_124 = arith.constant 16 : i32
      %mul3A_125 = arith.muli %while3A_103, %mul3A_124 : i32
      %iota3A = tpu.iota {dimensions = array<i32: 0>} : vector<16xi32>
      %broadcast_in_dim3A = arith.constant 0.000000e+00 : f32
      %broadcast_in_dim3A_126 = vector.broadcast %broadcast_in_dim3A : f32 to vector<16xf32>
      %add3A_127 = arith.constant 0 : i32
      %add3A_128 = arith.addi %mul3A_125, %add3A_127 : i32
      %get3A_129 = arith.index_cast %add3A_128 : i32 to index
      %get3A_130 = arith.constant 0 : index
      %get3A_131 = tpu.vector_load %arg12[%get3A_129, %get3A_130] {strides = array<i32>} : memref<528x128xf32, #tpu.memory_space<vmem>>, vector<16xf32>,
      %mul3A_132 = arith.mulf %get3A_131, %get3A_51 : vector<16xf32>
      %get3A_133 = arith.index_cast %add3A_128 : i32 to index
      %get3A_134 = arith.constant 16 : index
      %get3A_135 = tpu.vector_load %arg12[%get3A_133, %get3A_134] {strides = array<i32>} : memref<528x128xf32, #tpu.memory_space<vmem>>, vector<16xf32>,
      %mul3A_136 = arith.mulf %get3A_135, %get3A_55 : vector<16xf32>
      %get3A_137 = arith.index_cast %add3A_128 : i32 to index
      %get3A_138 = arith.constant 32 : index
      %get3A_139 = tpu.vector_load %arg12[%get3A_137, %get3A_138] {strides = array<i32>} : memref<528x128xf32, #tpu.memory_space<vmem>>, vector<16xf32>,
      %mul3A_140 = arith.mulf %get3A_139, %get3A_59 : vector<16xf32>
      %get3A_141 = arith.index_cast %add3A_128 : i32 to index
      %get3A_142 = arith.constant 48 : index
      %get3A_143 = tpu.vector_load %arg12[%get3A_141, %get3A_142] {strides = array<i32>} : memref<528x128xf32, #tpu.memory_space<vmem>>, vector<16xf32>,
      %mul3A_144 = arith.mulf %get3A_143, %get3A_63 : vector<16xf32>
      %get3A_145 = arith.index_cast %add3A_128 : i32 to index
      %get3A_146 = arith.constant 64 : index
      %get3A_147 = tpu.vector_load %arg12[%get3A_145, %get3A_146] {strides = array<i32>} : memref<528x128xf32, #tpu.memory_space<vmem>>, vector<16xf32>,
      %mul3A_148 = arith.mulf %get3A_147, %get3A_67 : vector<16xf32>
      %get3A_149 = arith.index_cast %add3A_128 : i32 to index
      %get3A_150 = arith.constant 80 : index
      %get3A_151 = tpu.vector_load %arg12[%get3A_149, %get3A_150] {strides = array<i32>} : memref<528x128xf32, #tpu.memory_space<vmem>>, vector<16xf32>,
      %mul3A_152 = arith.mulf %get3A_151, %get3A_71 : vector<16xf32>
      %get3A_153 = arith.index_cast %add3A_128 : i32 to index
      %get3A_154 = arith.constant 96 : index
      %get3A_155 = tpu.vector_load %arg12[%get3A_153, %get3A_154] {strides = array<i32>} : memref<528x128xf32, #tpu.memory_space<vmem>>, vector<16xf32>,
      %mul3A_156 = arith.mulf %get3A_155, %get3A_75 : vector<16xf32>
      %get3A_157 = arith.index_cast %add3A_128 : i32 to index
      %get3A_158 = arith.constant 112 : index
      %get3A_159 = tpu.vector_load %arg12[%get3A_157, %get3A_158] {strides = array<i32>} : memref<528x128xf32, #tpu.memory_space<vmem>>, vector<16xf32>,
      %mul3A_160 = arith.mulf %get3A_159, %get3A_79 : vector<16xf32>
      %add3A_161 = arith.addf %mul3A_132, %mul3A_136 : vector<16xf32>
      %add3A_162 = arith.addf %mul3A_140, %mul3A_144 : vector<16xf32>
      %add3A_163 = arith.addf %mul3A_148, %mul3A_152 : vector<16xf32>
      %add3A_164 = arith.addf %mul3A_156, %mul3A_160 : vector<16xf32>
      %add3A_165 = arith.addf %add3A_161, %add3A_162 : vector<16xf32>
      %add3A_166 = arith.addf %add3A_163, %add3A_164 : vector<16xf32>
      %add3A_167 = arith.addf %add3A_165, %add3A_166 : vector<16xf32>
      %reduce_sum3A = arith.constant true
      %reduce_sum3A_168 = vector.broadcast %reduce_sum3A : i1 to vector<16xi1>
      %reduce_sum3A_169 = tpu.scan <sum>, %add3A_167 masked %reduce_sum3A_168 : vector<16xf32>, vector<16xi1> -> vector<16xf32>
      %reduce_sum3A_170 = vector.extract %reduce_sum3A_169[15] : f32 from vector<16xf32>
      %eq3A_171 = arith.constant 0 : i32
      %eq3A_172 = vector.broadcast %eq3A_171 : i32 to vector<16xi32>
      %eq3A_173 = arith.cmpi eq, %iota3A, %eq3A_172 : vector<16xi32>
      %broadcast_in_dim3A_174 = vector.broadcast %reduce_sum3A_170 : f32 to vector<16xf32>
      %select_n3A = arith.select %eq3A_173, %broadcast_in_dim3A_174, %broadcast_in_dim3A_126 : vector<16xi1>, vector<16xf32>
      %add3A_175 = arith.constant 1 : i32
      %add3A_176 = arith.addi %mul3A_125, %add3A_175 : i32
      %get3A_177 = arith.index_cast %add3A_176 : i32 to index
      %get3A_178 = arith.constant 0 : index
      %get3A_179 = tpu.vector_load %arg12[%get3A_177, %get3A_178] {strides = array<i32>} : memref<528x128xf32, #tpu.memory_space<vmem>>, vector<16xf32>,
      %mul3A_180 = arith.mulf %get3A_179, %get3A_51 : vector<16xf32>
      %get3A_181 = arith.index_cast %add3A_176 : i32 to index
      %get3A_182 = arith.constant 16 : index
      %get3A_183 = tpu.vector_load %arg12[%get3A_181, %get3A_182] {strides = array<i32>} : memref<528x128xf32, #tpu.memory_space<vmem>>, vector<16xf32>,
      %mul3A_184 = arith.mulf %get3A_183, %get3A_55 : vector<16xf32>
      %get3A_185 = arith.index_cast %add3A_176 : i32 to index
      %get3A_186 = arith.constant 32 : index
      %get3A_187 = tpu.vector_load %arg12[%get3A_185, %get3A_186] {strides = array<i32>} : memref<528x128xf32, #tpu.memory_space<vmem>>, vector<16xf32>,
      %mul3A_188 = arith.mulf %get3A_187, %get3A_59 : vector<16xf32>
      %get3A_189 = arith.index_cast %add3A_176 : i32 to index
      %get3A_190 = arith.constant 48 : index
      %get3A_191 = tpu.vector_load %arg12[%get3A_189, %get3A_190] {strides = array<i32>} : memref<528x128xf32, #tpu.memory_space<vmem>>, vector<16xf32>,
      %mul3A_192 = arith.mulf %get3A_191, %get3A_63 : vector<16xf32>
      %get3A_193 = arith.index_cast %add3A_176 : i32 to index
      %get3A_194 = arith.constant 64 : index
      %get3A_195 = tpu.vector_load %arg12[%get3A_193, %get3A_194] {strides = array<i32>} : memref<528x128xf32, #tpu.memory_space<vmem>>, vector<16xf32>,
      %mul3A_196 = arith.mulf %get3A_195, %get3A_67 : vector<16xf32>
      %get3A_197 = arith.index_cast %add3A_176 : i32 to index
      %get3A_198 = arith.constant 80 : index
      %get3A_199 = tpu.vector_load %arg12[%get3A_197, %get3A_198] {strides = array<i32>} : memref<528x128xf32, #tpu.memory_space<vmem>>, vector<16xf32>,
      %mul3A_200 = arith.mulf %get3A_199, %get3A_71 : vector<16xf32>
      %get3A_201 = arith.index_cast %add3A_176 : i32 to index
      %get3A_202 = arith.constant 96 : index
      %get3A_203 = tpu.vector_load %arg12[%get3A_201, %get3A_202] {strides = array<i32>} : memref<528x128xf32, #tpu.memory_space<vmem>>, vector<16xf32>,
      %mul3A_204 = arith.mulf %get3A_203, %get3A_75 : vector<16xf32>
      %get3A_205 = arith.index_cast %add3A_176 : i32 to index
      %get3A_206 = arith.constant 112 : index
      %get3A_207 = tpu.vector_load %arg12[%get3A_205, %get3A_206] {strides = array<i32>} : memref<528x128xf32, #tpu.memory_space<vmem>>, vector<16xf32>,
      %mul3A_208 = arith.mulf %get3A_207, %get3A_79 : vector<16xf32>
      %add3A_209 = arith.addf %mul3A_180, %mul3A_184 : vector<16xf32>
      %add3A_210 = arith.addf %mul3A_188, %mul3A_192 : vector<16xf32>
      %add3A_211 = arith.addf %mul3A_196, %mul3A_200 : vector<16xf32>
      %add3A_212 = arith.addf %mul3A_204, %mul3A_208 : vector<16xf32>
      %add3A_213 = arith.addf %add3A_209, %add3A_210 : vector<16xf32>
      %add3A_214 = arith.addf %add3A_211, %add3A_212 : vector<16xf32>
      %add3A_215 = arith.addf %add3A_213, %add3A_214 : vector<16xf32>
      %reduce_sum3A_216 = arith.constant true
      %reduce_sum3A_217 = vector.broadcast %reduce_sum3A_216 : i1 to vector<16xi1>
      %reduce_sum3A_218 = tpu.scan <sum>, %add3A_215 masked %reduce_sum3A_217 : vector<16xf32>, vector<16xi1> -> vector<16xf32>
      %reduce_sum3A_219 = vector.extract %reduce_sum3A_218[15] : f32 from vector<16xf32>
      %eq3A_220 = arith.constant 1 : i32
      %eq3A_221 = vector.broadcast %eq3A_220 : i32 to vector<16xi32>
      %eq3A_222 = arith.cmpi eq, %iota3A, %eq3A_221 : vector<16xi32>
      %broadcast_in_dim3A_223 = vector.broadcast %reduce_sum3A_219 : f32 to vector<16xf32>
      %select_n3A_224 = arith.select %eq3A_222, %broadcast_in_dim3A_223, %select_n3A : vector<16xi1>, vector<16xf32>
      %add3A_225 = arith.constant 2 : i32
      %add3A_226 = arith.addi %mul3A_125, %add3A_225 : i32
      %get3A_227 = arith.index_cast %add3A_226 : i32 to index
      %get3A_228 = arith.constant 0 : index
      %get3A_229 = tpu.vector_load %arg12[%get3A_227, %get3A_228] {strides = array<i32>} : memref<528x128xf32, #tpu.memory_space<vmem>>, vector<16xf32>,
      %mul3A_230 = arith.mulf %get3A_229, %get3A_51 : vector<16xf32>
      %get3A_231 = arith.index_cast %add3A_226 : i32 to index
      %get3A_232 = arith.constant 16 : index
      %get3A_233 = tpu.vector_load %arg12[%get3A_231, %get3A_232] {strides = array<i32>} : memref<528x128xf32, #tpu.memory_space<vmem>>, vector<16xf32>,
      %mul3A_234 = arith.mulf %get3A_233, %get3A_55 : vector<16xf32>
      %get3A_235 = arith.index_cast %add3A_226 : i32 to index
      %get3A_236 = arith.constant 32 : index
      %get3A_237 = tpu.vector_load %arg12[%get3A_235, %get3A_236] {strides = array<i32>} : memref<528x128xf32, #tpu.memory_space<vmem>>, vector<16xf32>,
      %mul3A_238 = arith.mulf %get3A_237, %get3A_59 : vector<16xf32>
      %get3A_239 = arith.index_cast %add3A_226 : i32 to index
      %get3A_240 = arith.constant 48 : index
      %get3A_241 = tpu.vector_load %arg12[%get3A_239, %get3A_240] {strides = array<i32>} : memref<528x128xf32, #tpu.memory_space<vmem>>, vector<16xf32>,
      %mul3A_242 = arith.mulf %get3A_241, %get3A_63 : vector<16xf32>
      %get3A_243 = arith.index_cast %add3A_226 : i32 to index
      %get3A_244 = arith.constant 64 : index
      %get3A_245 = tpu.vector_load %arg12[%get3A_243, %get3A_244] {strides = array<i32>} : memref<528x128xf32, #tpu.memory_space<vmem>>, vector<16xf32>,
      %mul3A_246 = arith.mulf %get3A_245, %get3A_67 : vector<16xf32>
      %get3A_247 = arith.index_cast %add3A_226 : i32 to index
      %get3A_248 = arith.constant 80 : index
      %get3A_249 = tpu.vector_load %arg12[%get3A_247, %get3A_248] {strides = array<i32>} : memref<528x128xf32, #tpu.memory_space<vmem>>, vector<16xf32>,
      %mul3A_250 = arith.mulf %get3A_249, %get3A_71 : vector<16xf32>
      %get3A_251 = arith.index_cast %add3A_226 : i32 to index
      %get3A_252 = arith.constant 96 : index
      %get3A_253 = tpu.vector_load %arg12[%get3A_251, %get3A_252] {strides = array<i32>} : memref<528x128xf32, #tpu.memory_space<vmem>>, vector<16xf32>,
      %mul3A_254 = arith.mulf %get3A_253, %get3A_75 : vector<16xf32>
      %get3A_255 = arith.index_cast %add3A_226 : i32 to index
      %get3A_256 = arith.constant 112 : index
      %get3A_257 = tpu.vector_load %arg12[%get3A_255, %get3A_256] {strides = array<i32>} : memref<528x128xf32, #tpu.memory_space<vmem>>, vector<16xf32>,
      %mul3A_258 = arith.mulf %get3A_257, %get3A_79 : vector<16xf32>
      %add3A_259 = arith.addf %mul3A_230, %mul3A_234 : vector<16xf32>
      %add3A_260 = arith.addf %mul3A_238, %mul3A_242 : vector<16xf32>
      %add3A_261 = arith.addf %mul3A_246, %mul3A_250 : vector<16xf32>
      %add3A_262 = arith.addf %mul3A_254, %mul3A_258 : vector<16xf32>
      %add3A_263 = arith.addf %add3A_259, %add3A_260 : vector<16xf32>
      %add3A_264 = arith.addf %add3A_261, %add3A_262 : vector<16xf32>
      %add3A_265 = arith.addf %add3A_263, %add3A_264 : vector<16xf32>
      %reduce_sum3A_266 = arith.constant true
      %reduce_sum3A_267 = vector.broadcast %reduce_sum3A_266 : i1 to vector<16xi1>
      %reduce_sum3A_268 = tpu.scan <sum>, %add3A_265 masked %reduce_sum3A_267 : vector<16xf32>, vector<16xi1> -> vector<16xf32>
      %reduce_sum3A_269 = vector.extract %reduce_sum3A_268[15] : f32 from vector<16xf32>
      %eq3A_270 = arith.constant 2 : i32
      %eq3A_271 = vector.broadcast %eq3A_270 : i32 to vector<16xi32>
      %eq3A_272 = arith.cmpi eq, %iota3A, %eq3A_271 : vector<16xi32>
      %broadcast_in_dim3A_273 = vector.broadcast %reduce_sum3A_269 : f32 to vector<16xf32>
      %select_n3A_274 = arith.select %eq3A_272, %broadcast_in_dim3A_273, %select_n3A_224 : vector<16xi1>, vector<16xf32>
      %add3A_275 = arith.constant 3 : i32
      %add3A_276 = arith.addi %mul3A_125, %add3A_275 : i32
      %get3A_277 = arith.index_cast %add3A_276 : i32 to index
      %get3A_278 = arith.constant 0 : index
      %get3A_279 = tpu.vector_load %arg12[%get3A_277, %get3A_278] {strides = array<i32>} : memref<528x128xf32, #tpu.memory_space<vmem>>, vector<16xf32>,
      %mul3A_280 = arith.mulf %get3A_279, %get3A_51 : vector<16xf32>
      %get3A_281 = arith.index_cast %add3A_276 : i32 to index
      %get3A_282 = arith.constant 16 : index
      %get3A_283 = tpu.vector_load %arg12[%get3A_281, %get3A_282] {strides = array<i32>} : memref<528x128xf32, #tpu.memory_space<vmem>>, vector<16xf32>,
      %mul3A_284 = arith.mulf %get3A_283, %get3A_55 : vector<16xf32>
      %get3A_285 = arith.index_cast %add3A_276 : i32 to index
      %get3A_286 = arith.constant 32 : index
      %get3A_287 = tpu.vector_load %arg12[%get3A_285, %get3A_286] {strides = array<i32>} : memref<528x128xf32, #tpu.memory_space<vmem>>, vector<16xf32>,
      %mul3A_288 = arith.mulf %get3A_287, %get3A_59 : vector<16xf32>
      %get3A_289 = arith.index_cast %add3A_276 : i32 to index
      %get3A_290 = arith.constant 48 : index
      %get3A_291 = tpu.vector_load %arg12[%get3A_289, %get3A_290] {strides = array<i32>} : memref<528x128xf32, #tpu.memory_space<vmem>>, vector<16xf32>,
      %mul3A_292 = arith.mulf %get3A_291, %get3A_63 : vector<16xf32>
      %get3A_293 = arith.index_cast %add3A_276 : i32 to index
      %get3A_294 = arith.constant 64 : index
      %get3A_295 = tpu.vector_load %arg12[%get3A_293, %get3A_294] {strides = array<i32>} : memref<528x128xf32, #tpu.memory_space<vmem>>, vector<16xf32>,
      %mul3A_296 = arith.mulf %get3A_295, %get3A_67 : vector<16xf32>
      %get3A_297 = arith.index_cast %add3A_276 : i32 to index
      %get3A_298 = arith.constant 80 : index
      %get3A_299 = tpu.vector_load %arg12[%get3A_297, %get3A_298] {strides = array<i32>} : memref<528x128xf32, #tpu.memory_space<vmem>>, vector<16xf32>,
      %mul3A_300 = arith.mulf %get3A_299, %get3A_71 : vector<16xf32>
      %get3A_301 = arith.index_cast %add3A_276 : i32 to index
      %get3A_302 = arith.constant 96 : index
      %get3A_303 = tpu.vector_load %arg12[%get3A_301, %get3A_302] {strides = array<i32>} : memref<528x128xf32, #tpu.memory_space<vmem>>, vector<16xf32>,
      %mul3A_304 = arith.mulf %get3A_303, %get3A_75 : vector<16xf32>
      %get3A_305 = arith.index_cast %add3A_276 : i32 to index
      %get3A_306 = arith.constant 112 : index
      %get3A_307 = tpu.vector_load %arg12[%get3A_305, %get3A_306] {strides = array<i32>} : memref<528x128xf32, #tpu.memory_space<vmem>>, vector<16xf32>,
      %mul3A_308 = arith.mulf %get3A_307, %get3A_79 : vector<16xf32>
      %add3A_309 = arith.addf %mul3A_280, %mul3A_284 : vector<16xf32>
      %add3A_310 = arith.addf %mul3A_288, %mul3A_292 : vector<16xf32>
      %add3A_311 = arith.addf %mul3A_296, %mul3A_300 : vector<16xf32>
      %add3A_312 = arith.addf %mul3A_304, %mul3A_308 : vector<16xf32>
      %add3A_313 = arith.addf %add3A_309, %add3A_310 : vector<16xf32>
      %add3A_314 = arith.addf %add3A_311, %add3A_312 : vector<16xf32>
      %add3A_315 = arith.addf %add3A_313, %add3A_314 : vector<16xf32>
      %reduce_sum3A_316 = arith.constant true
      %reduce_sum3A_317 = vector.broadcast %reduce_sum3A_316 : i1 to vector<16xi1>
      %reduce_sum3A_318 = tpu.scan <sum>, %add3A_315 masked %reduce_sum3A_317 : vector<16xf32>, vector<16xi1> -> vector<16xf32>
      %reduce_sum3A_319 = vector.extract %reduce_sum3A_318[15] : f32 from vector<16xf32>
      %eq3A_320 = arith.constant 3 : i32
      %eq3A_321 = vector.broadcast %eq3A_320 : i32 to vector<16xi32>
      %eq3A_322 = arith.cmpi eq, %iota3A, %eq3A_321 : vector<16xi32>
      %broadcast_in_dim3A_323 = vector.broadcast %reduce_sum3A_319 : f32 to vector<16xf32>
      %select_n3A_324 = arith.select %eq3A_322, %broadcast_in_dim3A_323, %select_n3A_274 : vector<16xi1>, vector<16xf32>
      %add3A_325 = arith.constant 4 : i32
      %add3A_326 = arith.addi %mul3A_125, %add3A_325 : i32
      %get3A_327 = arith.index_cast %add3A_326 : i32 to index
      %get3A_328 = arith.constant 0 : index
      %get3A_329 = tpu.vector_load %arg12[%get3A_327, %get3A_328] {strides = array<i32>} : memref<528x128xf32, #tpu.memory_space<vmem>>, vector<16xf32>,
      %mul3A_330 = arith.mulf %get3A_329, %get3A_51 : vector<16xf32>
      %get3A_331 = arith.index_cast %add3A_326 : i32 to index
      %get3A_332 = arith.constant 16 : index
      %get3A_333 = tpu.vector_load %arg12[%get3A_331, %get3A_332] {strides = array<i32>} : memref<528x128xf32, #tpu.memory_space<vmem>>, vector<16xf32>,
      %mul3A_334 = arith.mulf %get3A_333, %get3A_55 : vector<16xf32>
      %get3A_335 = arith.index_cast %add3A_326 : i32 to index
      %get3A_336 = arith.constant 32 : index
      %get3A_337 = tpu.vector_load %arg12[%get3A_335, %get3A_336] {strides = array<i32>} : memref<528x128xf32, #tpu.memory_space<vmem>>, vector<16xf32>,
      %mul3A_338 = arith.mulf %get3A_337, %get3A_59 : vector<16xf32>
      %get3A_339 = arith.index_cast %add3A_326 : i32 to index
      %get3A_340 = arith.constant 48 : index
      %get3A_341 = tpu.vector_load %arg12[%get3A_339, %get3A_340] {strides = array<i32>} : memref<528x128xf32, #tpu.memory_space<vmem>>, vector<16xf32>,
      %mul3A_342 = arith.mulf %get3A_341, %get3A_63 : vector<16xf32>
      %get3A_343 = arith.index_cast %add3A_326 : i32 to index
      %get3A_344 = arith.constant 64 : index
      %get3A_345 = tpu.vector_load %arg12[%get3A_343, %get3A_344] {strides = array<i32>} : memref<528x128xf32, #tpu.memory_space<vmem>>, vector<16xf32>,
      %mul3A_346 = arith.mulf %get3A_345, %get3A_67 : vector<16xf32>
      %get3A_347 = arith.index_cast %add3A_326 : i32 to index
      %get3A_348 = arith.constant 80 : index
      %get3A_349 = tpu.vector_load %arg12[%get3A_347, %get3A_348] {strides = array<i32>} : memref<528x128xf32, #tpu.memory_space<vmem>>, vector<16xf32>,
      %mul3A_350 = arith.mulf %get3A_349, %get3A_71 : vector<16xf32>
      %get3A_351 = arith.index_cast %add3A_326 : i32 to index
      %get3A_352 = arith.constant 96 : index
      %get3A_353 = tpu.vector_load %arg12[%get3A_351, %get3A_352] {strides = array<i32>} : memref<528x128xf32, #tpu.memory_space<vmem>>, vector<16xf32>,
      %mul3A_354 = arith.mulf %get3A_353, %get3A_75 : vector<16xf32>
      %get3A_355 = arith.index_cast %add3A_326 : i32 to index
      %get3A_356 = arith.constant 112 : index
      %get3A_357 = tpu.vector_load %arg12[%get3A_355, %get3A_356] {strides = array<i32>} : memref<528x128xf32, #tpu.memory_space<vmem>>, vector<16xf32>,
      %mul3A_358 = arith.mulf %get3A_357, %get3A_79 : vector<16xf32>
      %add3A_359 = arith.addf %mul3A_330, %mul3A_334 : vector<16xf32>
      %add3A_360 = arith.addf %mul3A_338, %mul3A_342 : vector<16xf32>
      %add3A_361 = arith.addf %mul3A_346, %mul3A_350 : vector<16xf32>
      %add3A_362 = arith.addf %mul3A_354, %mul3A_358 : vector<16xf32>
      %add3A_363 = arith.addf %add3A_359, %add3A_360 : vector<16xf32>
      %add3A_364 = arith.addf %add3A_361, %add3A_362 : vector<16xf32>
      %add3A_365 = arith.addf %add3A_363, %add3A_364 : vector<16xf32>
      %reduce_sum3A_366 = arith.constant true
      %reduce_sum3A_367 = vector.broadcast %reduce_sum3A_366 : i1 to vector<16xi1>
      %reduce_sum3A_368 = tpu.scan <sum>, %add3A_365 masked %reduce_sum3A_367 : vector<16xf32>, vector<16xi1> -> vector<16xf32>
      %reduce_sum3A_369 = vector.extract %reduce_sum3A_368[15] : f32 from vector<16xf32>
      %eq3A_370 = arith.constant 4 : i32
      %eq3A_371 = vector.broadcast %eq3A_370 : i32 to vector<16xi32>
      %eq3A_372 = arith.cmpi eq, %iota3A, %eq3A_371 : vector<16xi32>
      %broadcast_in_dim3A_373 = vector.broadcast %reduce_sum3A_369 : f32 to vector<16xf32>
      %select_n3A_374 = arith.select %eq3A_372, %broadcast_in_dim3A_373, %select_n3A_324 : vector<16xi1>, vector<16xf32>
      %add3A_375 = arith.constant 5 : i32
      %add3A_376 = arith.addi %mul3A_125, %add3A_375 : i32
      %get3A_377 = arith.index_cast %add3A_376 : i32 to index
      %get3A_378 = arith.constant 0 : index
      %get3A_379 = tpu.vector_load %arg12[%get3A_377, %get3A_378] {strides = array<i32>} : memref<528x128xf32, #tpu.memory_space<vmem>>, vector<16xf32>,
      %mul3A_380 = arith.mulf %get3A_379, %get3A_51 : vector<16xf32>
      %get3A_381 = arith.index_cast %add3A_376 : i32 to index
      %get3A_382 = arith.constant 16 : index
      %get3A_383 = tpu.vector_load %arg12[%get3A_381, %get3A_382] {strides = array<i32>} : memref<528x128xf32, #tpu.memory_space<vmem>>, vector<16xf32>,
      %mul3A_384 = arith.mulf %get3A_383, %get3A_55 : vector<16xf32>
      %get3A_385 = arith.index_cast %add3A_376 : i32 to index
      %get3A_386 = arith.constant 32 : index
      %get3A_387 = tpu.vector_load %arg12[%get3A_385, %get3A_386] {strides = array<i32>} : memref<528x128xf32, #tpu.memory_space<vmem>>, vector<16xf32>,
      %mul3A_388 = arith.mulf %get3A_387, %get3A_59 : vector<16xf32>
      %get3A_389 = arith.index_cast %add3A_376 : i32 to index
      %get3A_390 = arith.constant 48 : index
      %get3A_391 = tpu.vector_load %arg12[%get3A_389, %get3A_390] {strides = array<i32>} : memref<528x128xf32, #tpu.memory_space<vmem>>, vector<16xf32>,
      %mul3A_392 = arith.mulf %get3A_391, %get3A_63 : vector<16xf32>
      %get3A_393 = arith.index_cast %add3A_376 : i32 to index
      %get3A_394 = arith.constant 64 : index
      %get3A_395 = tpu.vector_load %arg12[%get3A_393, %get3A_394] {strides = array<i32>} : memref<528x128xf32, #tpu.memory_space<vmem>>, vector<16xf32>,
      %mul3A_396 = arith.mulf %get3A_395, %get3A_67 : vector<16xf32>
      %get3A_397 = arith.index_cast %add3A_376 : i32 to index
      %get3A_398 = arith.constant 80 : index
      %get3A_399 = tpu.vector_load %arg12[%get3A_397, %get3A_398] {strides = array<i32>} : memref<528x128xf32, #tpu.memory_space<vmem>>, vector<16xf32>,
      %mul3A_400 = arith.mulf %get3A_399, %get3A_71 : vector<16xf32>
      %get3A_401 = arith.index_cast %add3A_376 : i32 to index
      %get3A_402 = arith.constant 96 : index
      %get3A_403 = tpu.vector_load %arg12[%get3A_401, %get3A_402] {strides = array<i32>} : memref<528x128xf32, #tpu.memory_space<vmem>>, vector<16xf32>,
      %mul3A_404 = arith.mulf %get3A_403, %get3A_75 : vector<16xf32>
      %get3A_405 = arith.index_cast %add3A_376 : i32 to index
      %get3A_406 = arith.constant 112 : index
      %get3A_407 = tpu.vector_load %arg12[%get3A_405, %get3A_406] {strides = array<i32>} : memref<528x128xf32, #tpu.memory_space<vmem>>, vector<16xf32>,
      %mul3A_408 = arith.mulf %get3A_407, %get3A_79 : vector<16xf32>
      %add3A_409 = arith.addf %mul3A_380, %mul3A_384 : vector<16xf32>
      %add3A_410 = arith.addf %mul3A_388, %mul3A_392 : vector<16xf32>
      %add3A_411 = arith.addf %mul3A_396, %mul3A_400 : vector<16xf32>
      %add3A_412 = arith.addf %mul3A_404, %mul3A_408 : vector<16xf32>
      %add3A_413 = arith.addf %add3A_409, %add3A_410 : vector<16xf32>
      %add3A_414 = arith.addf %add3A_411, %add3A_412 : vector<16xf32>
      %add3A_415 = arith.addf %add3A_413, %add3A_414 : vector<16xf32>
      %reduce_sum3A_416 = arith.constant true
      %reduce_sum3A_417 = vector.broadcast %reduce_sum3A_416 : i1 to vector<16xi1>
      %reduce_sum3A_418 = tpu.scan <sum>, %add3A_415 masked %reduce_sum3A_417 : vector<16xf32>, vector<16xi1> -> vector<16xf32>
      %reduce_sum3A_419 = vector.extract %reduce_sum3A_418[15] : f32 from vector<16xf32>
      %eq3A_420 = arith.constant 5 : i32
      %eq3A_421 = vector.broadcast %eq3A_420 : i32 to vector<16xi32>
      %eq3A_422 = arith.cmpi eq, %iota3A, %eq3A_421 : vector<16xi32>
      %broadcast_in_dim3A_423 = vector.broadcast %reduce_sum3A_419 : f32 to vector<16xf32>
      %select_n3A_424 = arith.select %eq3A_422, %broadcast_in_dim3A_423, %select_n3A_374 : vector<16xi1>, vector<16xf32>
      %add3A_425 = arith.constant 6 : i32
      %add3A_426 = arith.addi %mul3A_125, %add3A_425 : i32
      %get3A_427 = arith.index_cast %add3A_426 : i32 to index
      %get3A_428 = arith.constant 0 : index
      %get3A_429 = tpu.vector_load %arg12[%get3A_427, %get3A_428] {strides = array<i32>} : memref<528x128xf32, #tpu.memory_space<vmem>>, vector<16xf32>,
      %mul3A_430 = arith.mulf %get3A_429, %get3A_51 : vector<16xf32>
      %get3A_431 = arith.index_cast %add3A_426 : i32 to index
      %get3A_432 = arith.constant 16 : index
      %get3A_433 = tpu.vector_load %arg12[%get3A_431, %get3A_432] {strides = array<i32>} : memref<528x128xf32, #tpu.memory_space<vmem>>, vector<16xf32>,
      %mul3A_434 = arith.mulf %get3A_433, %get3A_55 : vector<16xf32>
      %get3A_435 = arith.index_cast %add3A_426 : i32 to index
      %get3A_436 = arith.constant 32 : index
      %get3A_437 = tpu.vector_load %arg12[%get3A_435, %get3A_436] {strides = array<i32>} : memref<528x128xf32, #tpu.memory_space<vmem>>, vector<16xf32>,
      %mul3A_438 = arith.mulf %get3A_437, %get3A_59 : vector<16xf32>
      %get3A_439 = arith.index_cast %add3A_426 : i32 to index
      %get3A_440 = arith.constant 48 : index
      %get3A_441 = tpu.vector_load %arg12[%get3A_439, %get3A_440] {strides = array<i32>} : memref<528x128xf32, #tpu.memory_space<vmem>>, vector<16xf32>,
      %mul3A_442 = arith.mulf %get3A_441, %get3A_63 : vector<16xf32>
      %get3A_443 = arith.index_cast %add3A_426 : i32 to index
      %get3A_444 = arith.constant 64 : index
      %get3A_445 = tpu.vector_load %arg12[%get3A_443, %get3A_444] {strides = array<i32>} : memref<528x128xf32, #tpu.memory_space<vmem>>, vector<16xf32>,
      %mul3A_446 = arith.mulf %get3A_445, %get3A_67 : vector<16xf32>
      %get3A_447 = arith.index_cast %add3A_426 : i32 to index
      %get3A_448 = arith.constant 80 : index
      %get3A_449 = tpu.vector_load %arg12[%get3A_447, %get3A_448] {strides = array<i32>} : memref<528x128xf32, #tpu.memory_space<vmem>>, vector<16xf32>,
      %mul3A_450 = arith.mulf %get3A_449, %get3A_71 : vector<16xf32>
      %get3A_451 = arith.index_cast %add3A_426 : i32 to index
      %get3A_452 = arith.constant 96 : index
      %get3A_453 = tpu.vector_load %arg12[%get3A_451, %get3A_452] {strides = array<i32>} : memref<528x128xf32, #tpu.memory_space<vmem>>, vector<16xf32>,
      %mul3A_454 = arith.mulf %get3A_453, %get3A_75 : vector<16xf32>
      %get3A_455 = arith.index_cast %add3A_426 : i32 to index
      %get3A_456 = arith.constant 112 : index
      %get3A_457 = tpu.vector_load %arg12[%get3A_455, %get3A_456] {strides = array<i32>} : memref<528x128xf32, #tpu.memory_space<vmem>>, vector<16xf32>,
      %mul3A_458 = arith.mulf %get3A_457, %get3A_79 : vector<16xf32>
      %add3A_459 = arith.addf %mul3A_430, %mul3A_434 : vector<16xf32>
      %add3A_460 = arith.addf %mul3A_438, %mul3A_442 : vector<16xf32>
      %add3A_461 = arith.addf %mul3A_446, %mul3A_450 : vector<16xf32>
      %add3A_462 = arith.addf %mul3A_454, %mul3A_458 : vector<16xf32>
      %add3A_463 = arith.addf %add3A_459, %add3A_460 : vector<16xf32>
      %add3A_464 = arith.addf %add3A_461, %add3A_462 : vector<16xf32>
      %add3A_465 = arith.addf %add3A_463, %add3A_464 : vector<16xf32>
      %reduce_sum3A_466 = arith.constant true
      %reduce_sum3A_467 = vector.broadcast %reduce_sum3A_466 : i1 to vector<16xi1>
      %reduce_sum3A_468 = tpu.scan <sum>, %add3A_465 masked %reduce_sum3A_467 : vector<16xf32>, vector<16xi1> -> vector<16xf32>
      %reduce_sum3A_469 = vector.extract %reduce_sum3A_468[15] : f32 from vector<16xf32>
      %eq3A_470 = arith.constant 6 : i32
      %eq3A_471 = vector.broadcast %eq3A_470 : i32 to vector<16xi32>
      %eq3A_472 = arith.cmpi eq, %iota3A, %eq3A_471 : vector<16xi32>
      %broadcast_in_dim3A_473 = vector.broadcast %reduce_sum3A_469 : f32 to vector<16xf32>
      %select_n3A_474 = arith.select %eq3A_472, %broadcast_in_dim3A_473, %select_n3A_424 : vector<16xi1>, vector<16xf32>
      %add3A_475 = arith.constant 7 : i32
      %add3A_476 = arith.addi %mul3A_125, %add3A_475 : i32
      %get3A_477 = arith.index_cast %add3A_476 : i32 to index
      %get3A_478 = arith.constant 0 : index
      %get3A_479 = tpu.vector_load %arg12[%get3A_477, %get3A_478] {strides = array<i32>} : memref<528x128xf32, #tpu.memory_space<vmem>>, vector<16xf32>,
      %mul3A_480 = arith.mulf %get3A_479, %get3A_51 : vector<16xf32>
      %get3A_481 = arith.index_cast %add3A_476 : i32 to index
      %get3A_482 = arith.constant 16 : index
      %get3A_483 = tpu.vector_load %arg12[%get3A_481, %get3A_482] {strides = array<i32>} : memref<528x128xf32, #tpu.memory_space<vmem>>, vector<16xf32>,
      %mul3A_484 = arith.mulf %get3A_483, %get3A_55 : vector<16xf32>
      %get3A_485 = arith.index_cast %add3A_476 : i32 to index
      %get3A_486 = arith.constant 32 : index
      %get3A_487 = tpu.vector_load %arg12[%get3A_485, %get3A_486] {strides = array<i32>} : memref<528x128xf32, #tpu.memory_space<vmem>>, vector<16xf32>,
      %mul3A_488 = arith.mulf %get3A_487, %get3A_59 : vector<16xf32>
      %get3A_489 = arith.index_cast %add3A_476 : i32 to index
      %get3A_490 = arith.constant 48 : index
      %get3A_491 = tpu.vector_load %arg12[%get3A_489, %get3A_490] {strides = array<i32>} : memref<528x128xf32, #tpu.memory_space<vmem>>, vector<16xf32>,
      %mul3A_492 = arith.mulf %get3A_491, %get3A_63 : vector<16xf32>
      %get3A_493 = arith.index_cast %add3A_476 : i32 to index
      %get3A_494 = arith.constant 64 : index
      %get3A_495 = tpu.vector_load %arg12[%get3A_493, %get3A_494] {strides = array<i32>} : memref<528x128xf32, #tpu.memory_space<vmem>>, vector<16xf32>,
      %mul3A_496 = arith.mulf %get3A_495, %get3A_67 : vector<16xf32>
      %get3A_497 = arith.index_cast %add3A_476 : i32 to index
      %get3A_498 = arith.constant 80 : index
      %get3A_499 = tpu.vector_load %arg12[%get3A_497, %get3A_498] {strides = array<i32>} : memref<528x128xf32, #tpu.memory_space<vmem>>, vector<16xf32>,
      %mul3A_500 = arith.mulf %get3A_499, %get3A_71 : vector<16xf32>
      %get3A_501 = arith.index_cast %add3A_476 : i32 to index
      %get3A_502 = arith.constant 96 : index
      %get3A_503 = tpu.vector_load %arg12[%get3A_501, %get3A_502] {strides = array<i32>} : memref<528x128xf32, #tpu.memory_space<vmem>>, vector<16xf32>,
      %mul3A_504 = arith.mulf %get3A_503, %get3A_75 : vector<16xf32>
      %get3A_505 = arith.index_cast %add3A_476 : i32 to index
      %get3A_506 = arith.constant 112 : index
      %get3A_507 = tpu.vector_load %arg12[%get3A_505, %get3A_506] {strides = array<i32>} : memref<528x128xf32, #tpu.memory_space<vmem>>, vector<16xf32>,
      %mul3A_508 = arith.mulf %get3A_507, %get3A_79 : vector<16xf32>
      %add3A_509 = arith.addf %mul3A_480, %mul3A_484 : vector<16xf32>
      %add3A_510 = arith.addf %mul3A_488, %mul3A_492 : vector<16xf32>
      %add3A_511 = arith.addf %mul3A_496, %mul3A_500 : vector<16xf32>
      %add3A_512 = arith.addf %mul3A_504, %mul3A_508 : vector<16xf32>
      %add3A_513 = arith.addf %add3A_509, %add3A_510 : vector<16xf32>
      %add3A_514 = arith.addf %add3A_511, %add3A_512 : vector<16xf32>
      %add3A_515 = arith.addf %add3A_513, %add3A_514 : vector<16xf32>
      %reduce_sum3A_516 = arith.constant true
      %reduce_sum3A_517 = vector.broadcast %reduce_sum3A_516 : i1 to vector<16xi1>
      %reduce_sum3A_518 = tpu.scan <sum>, %add3A_515 masked %reduce_sum3A_517 : vector<16xf32>, vector<16xi1> -> vector<16xf32>
      %reduce_sum3A_519 = vector.extract %reduce_sum3A_518[15] : f32 from vector<16xf32>
      %eq3A_520 = arith.constant 7 : i32
      %eq3A_521 = vector.broadcast %eq3A_520 : i32 to vector<16xi32>
      %eq3A_522 = arith.cmpi eq, %iota3A, %eq3A_521 : vector<16xi32>
      %broadcast_in_dim3A_523 = vector.broadcast %reduce_sum3A_519 : f32 to vector<16xf32>
      %select_n3A_524 = arith.select %eq3A_522, %broadcast_in_dim3A_523, %select_n3A_474 : vector<16xi1>, vector<16xf32>
      %add3A_525 = arith.constant 8 : i32
      %add3A_526 = arith.addi %mul3A_125, %add3A_525 : i32
      %get3A_527 = arith.index_cast %add3A_526 : i32 to index
      %get3A_528 = arith.constant 0 : index
      %get3A_529 = tpu.vector_load %arg12[%get3A_527, %get3A_528] {strides = array<i32>} : memref<528x128xf32, #tpu.memory_space<vmem>>, vector<16xf32>,
      %mul3A_530 = arith.mulf %get3A_529, %get3A_51 : vector<16xf32>
      %get3A_531 = arith.index_cast %add3A_526 : i32 to index
      %get3A_532 = arith.constant 16 : index
      %get3A_533 = tpu.vector_load %arg12[%get3A_531, %get3A_532] {strides = array<i32>} : memref<528x128xf32, #tpu.memory_space<vmem>>, vector<16xf32>,
      %mul3A_534 = arith.mulf %get3A_533, %get3A_55 : vector<16xf32>
      %get3A_535 = arith.index_cast %add3A_526 : i32 to index
      %get3A_536 = arith.constant 32 : index
      %get3A_537 = tpu.vector_load %arg12[%get3A_535, %get3A_536] {strides = array<i32>} : memref<528x128xf32, #tpu.memory_space<vmem>>, vector<16xf32>,
      %mul3A_538 = arith.mulf %get3A_537, %get3A_59 : vector<16xf32>
      %get3A_539 = arith.index_cast %add3A_526 : i32 to index
      %get3A_540 = arith.constant 48 : index
      %get3A_541 = tpu.vector_load %arg12[%get3A_539, %get3A_540] {strides = array<i32>} : memref<528x128xf32, #tpu.memory_space<vmem>>, vector<16xf32>,
      %mul3A_542 = arith.mulf %get3A_541, %get3A_63 : vector<16xf32>
      %get3A_543 = arith.index_cast %add3A_526 : i32 to index
      %get3A_544 = arith.constant 64 : index
      %get3A_545 = tpu.vector_load %arg12[%get3A_543, %get3A_544] {strides = array<i32>} : memref<528x128xf32, #tpu.memory_space<vmem>>, vector<16xf32>,
      %mul3A_546 = arith.mulf %get3A_545, %get3A_67 : vector<16xf32>
      %get3A_547 = arith.index_cast %add3A_526 : i32 to index
      %get3A_548 = arith.constant 80 : index
      %get3A_549 = tpu.vector_load %arg12[%get3A_547, %get3A_548] {strides = array<i32>} : memref<528x128xf32, #tpu.memory_space<vmem>>, vector<16xf32>,
      %mul3A_550 = arith.mulf %get3A_549, %get3A_71 : vector<16xf32>
      %get3A_551 = arith.index_cast %add3A_526 : i32 to index
      %get3A_552 = arith.constant 96 : index
      %get3A_553 = tpu.vector_load %arg12[%get3A_551, %get3A_552] {strides = array<i32>} : memref<528x128xf32, #tpu.memory_space<vmem>>, vector<16xf32>,
      %mul3A_554 = arith.mulf %get3A_553, %get3A_75 : vector<16xf32>
      %get3A_555 = arith.index_cast %add3A_526 : i32 to index
      %get3A_556 = arith.constant 112 : index
      %get3A_557 = tpu.vector_load %arg12[%get3A_555, %get3A_556] {strides = array<i32>} : memref<528x128xf32, #tpu.memory_space<vmem>>, vector<16xf32>,
      %mul3A_558 = arith.mulf %get3A_557, %get3A_79 : vector<16xf32>
      %add3A_559 = arith.addf %mul3A_530, %mul3A_534 : vector<16xf32>
      %add3A_560 = arith.addf %mul3A_538, %mul3A_542 : vector<16xf32>
      %add3A_561 = arith.addf %mul3A_546, %mul3A_550 : vector<16xf32>
      %add3A_562 = arith.addf %mul3A_554, %mul3A_558 : vector<16xf32>
      %add3A_563 = arith.addf %add3A_559, %add3A_560 : vector<16xf32>
      %add3A_564 = arith.addf %add3A_561, %add3A_562 : vector<16xf32>
      %add3A_565 = arith.addf %add3A_563, %add3A_564 : vector<16xf32>
      %reduce_sum3A_566 = arith.constant true
      %reduce_sum3A_567 = vector.broadcast %reduce_sum3A_566 : i1 to vector<16xi1>
      %reduce_sum3A_568 = tpu.scan <sum>, %add3A_565 masked %reduce_sum3A_567 : vector<16xf32>, vector<16xi1> -> vector<16xf32>
      %reduce_sum3A_569 = vector.extract %reduce_sum3A_568[15] : f32 from vector<16xf32>
      %eq3A_570 = arith.constant 8 : i32
      %eq3A_571 = vector.broadcast %eq3A_570 : i32 to vector<16xi32>
      %eq3A_572 = arith.cmpi eq, %iota3A, %eq3A_571 : vector<16xi32>
      %broadcast_in_dim3A_573 = vector.broadcast %reduce_sum3A_569 : f32 to vector<16xf32>
      %select_n3A_574 = arith.select %eq3A_572, %broadcast_in_dim3A_573, %select_n3A_524 : vector<16xi1>, vector<16xf32>
      %add3A_575 = arith.constant 9 : i32
      %add3A_576 = arith.addi %mul3A_125, %add3A_575 : i32
      %get3A_577 = arith.index_cast %add3A_576 : i32 to index
      %get3A_578 = arith.constant 0 : index
      %get3A_579 = tpu.vector_load %arg12[%get3A_577, %get3A_578] {strides = array<i32>} : memref<528x128xf32, #tpu.memory_space<vmem>>, vector<16xf32>,
      %mul3A_580 = arith.mulf %get3A_579, %get3A_51 : vector<16xf32>
      %get3A_581 = arith.index_cast %add3A_576 : i32 to index
      %get3A_582 = arith.constant 16 : index
      %get3A_583 = tpu.vector_load %arg12[%get3A_581, %get3A_582] {strides = array<i32>} : memref<528x128xf32, #tpu.memory_space<vmem>>, vector<16xf32>,
      %mul3A_584 = arith.mulf %get3A_583, %get3A_55 : vector<16xf32>
      %get3A_585 = arith.index_cast %add3A_576 : i32 to index
      %get3A_586 = arith.constant 32 : index
      %get3A_587 = tpu.vector_load %arg12[%get3A_585, %get3A_586] {strides = array<i32>} : memref<528x128xf32, #tpu.memory_space<vmem>>, vector<16xf32>,
      %mul3A_588 = arith.mulf %get3A_587, %get3A_59 : vector<16xf32>
      %get3A_589 = arith.index_cast %add3A_576 : i32 to index
      %get3A_590 = arith.constant 48 : index
      %get3A_591 = tpu.vector_load %arg12[%get3A_589, %get3A_590] {strides = array<i32>} : memref<528x128xf32, #tpu.memory_space<vmem>>, vector<16xf32>,
      %mul3A_592 = arith.mulf %get3A_591, %get3A_63 : vector<16xf32>
      %get3A_593 = arith.index_cast %add3A_576 : i32 to index
      %get3A_594 = arith.constant 64 : index
      %get3A_595 = tpu.vector_load %arg12[%get3A_593, %get3A_594] {strides = array<i32>} : memref<528x128xf32, #tpu.memory_space<vmem>>, vector<16xf32>,
      %mul3A_596 = arith.mulf %get3A_595, %get3A_67 : vector<16xf32>
      %get3A_597 = arith.index_cast %add3A_576 : i32 to index
      %get3A_598 = arith.constant 80 : index
      %get3A_599 = tpu.vector_load %arg12[%get3A_597, %get3A_598] {strides = array<i32>} : memref<528x128xf32, #tpu.memory_space<vmem>>, vector<16xf32>,
      %mul3A_600 = arith.mulf %get3A_599, %get3A_71 : vector<16xf32>
      %get3A_601 = arith.index_cast %add3A_576 : i32 to index
      %get3A_602 = arith.constant 96 : index
      %get3A_603 = tpu.vector_load %arg12[%get3A_601, %get3A_602] {strides = array<i32>} : memref<528x128xf32, #tpu.memory_space<vmem>>, vector<16xf32>,
      %mul3A_604 = arith.mulf %get3A_603, %get3A_75 : vector<16xf32>
      %get3A_605 = arith.index_cast %add3A_576 : i32 to index
      %get3A_606 = arith.constant 112 : index
      %get3A_607 = tpu.vector_load %arg12[%get3A_605, %get3A_606] {strides = array<i32>} : memref<528x128xf32, #tpu.memory_space<vmem>>, vector<16xf32>,
      %mul3A_608 = arith.mulf %get3A_607, %get3A_79 : vector<16xf32>
      %add3A_609 = arith.addf %mul3A_580, %mul3A_584 : vector<16xf32>
      %add3A_610 = arith.addf %mul3A_588, %mul3A_592 : vector<16xf32>
      %add3A_611 = arith.addf %mul3A_596, %mul3A_600 : vector<16xf32>
      %add3A_612 = arith.addf %mul3A_604, %mul3A_608 : vector<16xf32>
      %add3A_613 = arith.addf %add3A_609, %add3A_610 : vector<16xf32>
      %add3A_614 = arith.addf %add3A_611, %add3A_612 : vector<16xf32>
      %add3A_615 = arith.addf %add3A_613, %add3A_614 : vector<16xf32>
      %reduce_sum3A_616 = arith.constant true
      %reduce_sum3A_617 = vector.broadcast %reduce_sum3A_616 : i1 to vector<16xi1>
      %reduce_sum3A_618 = tpu.scan <sum>, %add3A_615 masked %reduce_sum3A_617 : vector<16xf32>, vector<16xi1> -> vector<16xf32>
      %reduce_sum3A_619 = vector.extract %reduce_sum3A_618[15] : f32 from vector<16xf32>
      %eq3A_620 = arith.constant 9 : i32
      %eq3A_621 = vector.broadcast %eq3A_620 : i32 to vector<16xi32>
      %eq3A_622 = arith.cmpi eq, %iota3A, %eq3A_621 : vector<16xi32>
      %broadcast_in_dim3A_623 = vector.broadcast %reduce_sum3A_619 : f32 to vector<16xf32>
      %select_n3A_624 = arith.select %eq3A_622, %broadcast_in_dim3A_623, %select_n3A_574 : vector<16xi1>, vector<16xf32>
      %add3A_625 = arith.constant 10 : i32
      %add3A_626 = arith.addi %mul3A_125, %add3A_625 : i32
      %get3A_627 = arith.index_cast %add3A_626 : i32 to index
      %get3A_628 = arith.constant 0 : index
      %get3A_629 = tpu.vector_load %arg12[%get3A_627, %get3A_628] {strides = array<i32>} : memref<528x128xf32, #tpu.memory_space<vmem>>, vector<16xf32>,
      %mul3A_630 = arith.mulf %get3A_629, %get3A_51 : vector<16xf32>
      %get3A_631 = arith.index_cast %add3A_626 : i32 to index
      %get3A_632 = arith.constant 16 : index
      %get3A_633 = tpu.vector_load %arg12[%get3A_631, %get3A_632] {strides = array<i32>} : memref<528x128xf32, #tpu.memory_space<vmem>>, vector<16xf32>,
      %mul3A_634 = arith.mulf %get3A_633, %get3A_55 : vector<16xf32>
      %get3A_635 = arith.index_cast %add3A_626 : i32 to index
      %get3A_636 = arith.constant 32 : index
      %get3A_637 = tpu.vector_load %arg12[%get3A_635, %get3A_636] {strides = array<i32>} : memref<528x128xf32, #tpu.memory_space<vmem>>, vector<16xf32>,
      %mul3A_638 = arith.mulf %get3A_637, %get3A_59 : vector<16xf32>
      %get3A_639 = arith.index_cast %add3A_626 : i32 to index
      %get3A_640 = arith.constant 48 : index
      %get3A_641 = tpu.vector_load %arg12[%get3A_639, %get3A_640] {strides = array<i32>} : memref<528x128xf32, #tpu.memory_space<vmem>>, vector<16xf32>,
      %mul3A_642 = arith.mulf %get3A_641, %get3A_63 : vector<16xf32>
      %get3A_643 = arith.index_cast %add3A_626 : i32 to index
      %get3A_644 = arith.constant 64 : index
      %get3A_645 = tpu.vector_load %arg12[%get3A_643, %get3A_644] {strides = array<i32>} : memref<528x128xf32, #tpu.memory_space<vmem>>, vector<16xf32>,
      %mul3A_646 = arith.mulf %get3A_645, %get3A_67 : vector<16xf32>
      %get3A_647 = arith.index_cast %add3A_626 : i32 to index
      %get3A_648 = arith.constant 80 : index
      %get3A_649 = tpu.vector_load %arg12[%get3A_647, %get3A_648] {strides = array<i32>} : memref<528x128xf32, #tpu.memory_space<vmem>>, vector<16xf32>,
      %mul3A_650 = arith.mulf %get3A_649, %get3A_71 : vector<16xf32>
      %get3A_651 = arith.index_cast %add3A_626 : i32 to index
      %get3A_652 = arith.constant 96 : index
      %get3A_653 = tpu.vector_load %arg12[%get3A_651, %get3A_652] {strides = array<i32>} : memref<528x128xf32, #tpu.memory_space<vmem>>, vector<16xf32>,
      %mul3A_654 = arith.mulf %get3A_653, %get3A_75 : vector<16xf32>
      %get3A_655 = arith.index_cast %add3A_626 : i32 to index
      %get3A_656 = arith.constant 112 : index
      %get3A_657 = tpu.vector_load %arg12[%get3A_655, %get3A_656] {strides = array<i32>} : memref<528x128xf32, #tpu.memory_space<vmem>>, vector<16xf32>,
      %mul3A_658 = arith.mulf %get3A_657, %get3A_79 : vector<16xf32>
      %add3A_659 = arith.addf %mul3A_630, %mul3A_634 : vector<16xf32>
      %add3A_660 = arith.addf %mul3A_638, %mul3A_642 : vector<16xf32>
      %add3A_661 = arith.addf %mul3A_646, %mul3A_650 : vector<16xf32>
      %add3A_662 = arith.addf %mul3A_654, %mul3A_658 : vector<16xf32>
      %add3A_663 = arith.addf %add3A_659, %add3A_660 : vector<16xf32>
      %add3A_664 = arith.addf %add3A_661, %add3A_662 : vector<16xf32>
      %add3A_665 = arith.addf %add3A_663, %add3A_664 : vector<16xf32>
      %reduce_sum3A_666 = arith.constant true
      %reduce_sum3A_667 = vector.broadcast %reduce_sum3A_666 : i1 to vector<16xi1>
      %reduce_sum3A_668 = tpu.scan <sum>, %add3A_665 masked %reduce_sum3A_667 : vector<16xf32>, vector<16xi1> -> vector<16xf32>
      %reduce_sum3A_669 = vector.extract %reduce_sum3A_668[15] : f32 from vector<16xf32>
      %eq3A_670 = arith.constant 10 : i32
      %eq3A_671 = vector.broadcast %eq3A_670 : i32 to vector<16xi32>
      %eq3A_672 = arith.cmpi eq, %iota3A, %eq3A_671 : vector<16xi32>
      %broadcast_in_dim3A_673 = vector.broadcast %reduce_sum3A_669 : f32 to vector<16xf32>
      %select_n3A_674 = arith.select %eq3A_672, %broadcast_in_dim3A_673, %select_n3A_624 : vector<16xi1>, vector<16xf32>
      %add3A_675 = arith.constant 11 : i32
      %add3A_676 = arith.addi %mul3A_125, %add3A_675 : i32
      %get3A_677 = arith.index_cast %add3A_676 : i32 to index
      %get3A_678 = arith.constant 0 : index
      %get3A_679 = tpu.vector_load %arg12[%get3A_677, %get3A_678] {strides = array<i32>} : memref<528x128xf32, #tpu.memory_space<vmem>>, vector<16xf32>,
      %mul3A_680 = arith.mulf %get3A_679, %get3A_51 : vector<16xf32>
      %get3A_681 = arith.index_cast %add3A_676 : i32 to index
      %get3A_682 = arith.constant 16 : index
      %get3A_683 = tpu.vector_load %arg12[%get3A_681, %get3A_682] {strides = array<i32>} : memref<528x128xf32, #tpu.memory_space<vmem>>, vector<16xf32>,
      %mul3A_684 = arith.mulf %get3A_683, %get3A_55 : vector<16xf32>
      %get3A_685 = arith.index_cast %add3A_676 : i32 to index
      %get3A_686 = arith.constant 32 : index
      %get3A_687 = tpu.vector_load %arg12[%get3A_685, %get3A_686] {strides = array<i32>} : memref<528x128xf32, #tpu.memory_space<vmem>>, vector<16xf32>,
      %mul3A_688 = arith.mulf %get3A_687, %get3A_59 : vector<16xf32>
      %get3A_689 = arith.index_cast %add3A_676 : i32 to index
      %get3A_690 = arith.constant 48 : index
      %get3A_691 = tpu.vector_load %arg12[%get3A_689, %get3A_690] {strides = array<i32>} : memref<528x128xf32, #tpu.memory_space<vmem>>, vector<16xf32>,
      %mul3A_692 = arith.mulf %get3A_691, %get3A_63 : vector<16xf32>
      %get3A_693 = arith.index_cast %add3A_676 : i32 to index
      %get3A_694 = arith.constant 64 : index
      %get3A_695 = tpu.vector_load %arg12[%get3A_693, %get3A_694] {strides = array<i32>} : memref<528x128xf32, #tpu.memory_space<vmem>>, vector<16xf32>,
      %mul3A_696 = arith.mulf %get3A_695, %get3A_67 : vector<16xf32>
      %get3A_697 = arith.index_cast %add3A_676 : i32 to index
      %get3A_698 = arith.constant 80 : index
      %get3A_699 = tpu.vector_load %arg12[%get3A_697, %get3A_698] {strides = array<i32>} : memref<528x128xf32, #tpu.memory_space<vmem>>, vector<16xf32>,
      %mul3A_700 = arith.mulf %get3A_699, %get3A_71 : vector<16xf32>
      %get3A_701 = arith.index_cast %add3A_676 : i32 to index
      %get3A_702 = arith.constant 96 : index
      %get3A_703 = tpu.vector_load %arg12[%get3A_701, %get3A_702] {strides = array<i32>} : memref<528x128xf32, #tpu.memory_space<vmem>>, vector<16xf32>,
      %mul3A_704 = arith.mulf %get3A_703, %get3A_75 : vector<16xf32>
      %get3A_705 = arith.index_cast %add3A_676 : i32 to index
      %get3A_706 = arith.constant 112 : index
      %get3A_707 = tpu.vector_load %arg12[%get3A_705, %get3A_706] {strides = array<i32>} : memref<528x128xf32, #tpu.memory_space<vmem>>, vector<16xf32>,
      %mul3A_708 = arith.mulf %get3A_707, %get3A_79 : vector<16xf32>
      %add3A_709 = arith.addf %mul3A_680, %mul3A_684 : vector<16xf32>
      %add3A_710 = arith.addf %mul3A_688, %mul3A_692 : vector<16xf32>
      %add3A_711 = arith.addf %mul3A_696, %mul3A_700 : vector<16xf32>
      %add3A_712 = arith.addf %mul3A_704, %mul3A_708 : vector<16xf32>
      %add3A_713 = arith.addf %add3A_709, %add3A_710 : vector<16xf32>
      %add3A_714 = arith.addf %add3A_711, %add3A_712 : vector<16xf32>
      %add3A_715 = arith.addf %add3A_713, %add3A_714 : vector<16xf32>
      %reduce_sum3A_716 = arith.constant true
      %reduce_sum3A_717 = vector.broadcast %reduce_sum3A_716 : i1 to vector<16xi1>
      %reduce_sum3A_718 = tpu.scan <sum>, %add3A_715 masked %reduce_sum3A_717 : vector<16xf32>, vector<16xi1> -> vector<16xf32>
      %reduce_sum3A_719 = vector.extract %reduce_sum3A_718[15] : f32 from vector<16xf32>
      %eq3A_720 = arith.constant 11 : i32
      %eq3A_721 = vector.broadcast %eq3A_720 : i32 to vector<16xi32>
      %eq3A_722 = arith.cmpi eq, %iota3A, %eq3A_721 : vector<16xi32>
      %broadcast_in_dim3A_723 = vector.broadcast %reduce_sum3A_719 : f32 to vector<16xf32>
      %select_n3A_724 = arith.select %eq3A_722, %broadcast_in_dim3A_723, %select_n3A_674 : vector<16xi1>, vector<16xf32>
      %add3A_725 = arith.constant 12 : i32
      %add3A_726 = arith.addi %mul3A_125, %add3A_725 : i32
      %get3A_727 = arith.index_cast %add3A_726 : i32 to index
      %get3A_728 = arith.constant 0 : index
      %get3A_729 = tpu.vector_load %arg12[%get3A_727, %get3A_728] {strides = array<i32>} : memref<528x128xf32, #tpu.memory_space<vmem>>, vector<16xf32>,
      %mul3A_730 = arith.mulf %get3A_729, %get3A_51 : vector<16xf32>
      %get3A_731 = arith.index_cast %add3A_726 : i32 to index
      %get3A_732 = arith.constant 16 : index
      %get3A_733 = tpu.vector_load %arg12[%get3A_731, %get3A_732] {strides = array<i32>} : memref<528x128xf32, #tpu.memory_space<vmem>>, vector<16xf32>,
      %mul3A_734 = arith.mulf %get3A_733, %get3A_55 : vector<16xf32>
      %get3A_735 = arith.index_cast %add3A_726 : i32 to index
      %get3A_736 = arith.constant 32 : index
      %get3A_737 = tpu.vector_load %arg12[%get3A_735, %get3A_736] {strides = array<i32>} : memref<528x128xf32, #tpu.memory_space<vmem>>, vector<16xf32>,
      %mul3A_738 = arith.mulf %get3A_737, %get3A_59 : vector<16xf32>
      %get3A_739 = arith.index_cast %add3A_726 : i32 to index
      %get3A_740 = arith.constant 48 : index
      %get3A_741 = tpu.vector_load %arg12[%get3A_739, %get3A_740] {strides = array<i32>} : memref<528x128xf32, #tpu.memory_space<vmem>>, vector<16xf32>,
      %mul3A_742 = arith.mulf %get3A_741, %get3A_63 : vector<16xf32>
      %get3A_743 = arith.index_cast %add3A_726 : i32 to index
      %get3A_744 = arith.constant 64 : index
      %get3A_745 = tpu.vector_load %arg12[%get3A_743, %get3A_744] {strides = array<i32>} : memref<528x128xf32, #tpu.memory_space<vmem>>, vector<16xf32>,
      %mul3A_746 = arith.mulf %get3A_745, %get3A_67 : vector<16xf32>
      %get3A_747 = arith.index_cast %add3A_726 : i32 to index
      %get3A_748 = arith.constant 80 : index
      %get3A_749 = tpu.vector_load %arg12[%get3A_747, %get3A_748] {strides = array<i32>} : memref<528x128xf32, #tpu.memory_space<vmem>>, vector<16xf32>,
      %mul3A_750 = arith.mulf %get3A_749, %get3A_71 : vector<16xf32>
      %get3A_751 = arith.index_cast %add3A_726 : i32 to index
      %get3A_752 = arith.constant 96 : index
      %get3A_753 = tpu.vector_load %arg12[%get3A_751, %get3A_752] {strides = array<i32>} : memref<528x128xf32, #tpu.memory_space<vmem>>, vector<16xf32>,
      %mul3A_754 = arith.mulf %get3A_753, %get3A_75 : vector<16xf32>
      %get3A_755 = arith.index_cast %add3A_726 : i32 to index
      %get3A_756 = arith.constant 112 : index
      %get3A_757 = tpu.vector_load %arg12[%get3A_755, %get3A_756] {strides = array<i32>} : memref<528x128xf32, #tpu.memory_space<vmem>>, vector<16xf32>,
      %mul3A_758 = arith.mulf %get3A_757, %get3A_79 : vector<16xf32>
      %add3A_759 = arith.addf %mul3A_730, %mul3A_734 : vector<16xf32>
      %add3A_760 = arith.addf %mul3A_738, %mul3A_742 : vector<16xf32>
      %add3A_761 = arith.addf %mul3A_746, %mul3A_750 : vector<16xf32>
      %add3A_762 = arith.addf %mul3A_754, %mul3A_758 : vector<16xf32>
      %add3A_763 = arith.addf %add3A_759, %add3A_760 : vector<16xf32>
      %add3A_764 = arith.addf %add3A_761, %add3A_762 : vector<16xf32>
      %add3A_765 = arith.addf %add3A_763, %add3A_764 : vector<16xf32>
      %reduce_sum3A_766 = arith.constant true
      %reduce_sum3A_767 = vector.broadcast %reduce_sum3A_766 : i1 to vector<16xi1>
      %reduce_sum3A_768 = tpu.scan <sum>, %add3A_765 masked %reduce_sum3A_767 : vector<16xf32>, vector<16xi1> -> vector<16xf32>
      %reduce_sum3A_769 = vector.extract %reduce_sum3A_768[15] : f32 from vector<16xf32>
      %eq3A_770 = arith.constant 12 : i32
      %eq3A_771 = vector.broadcast %eq3A_770 : i32 to vector<16xi32>
      %eq3A_772 = arith.cmpi eq, %iota3A, %eq3A_771 : vector<16xi32>
      %broadcast_in_dim3A_773 = vector.broadcast %reduce_sum3A_769 : f32 to vector<16xf32>
      %select_n3A_774 = arith.select %eq3A_772, %broadcast_in_dim3A_773, %select_n3A_724 : vector<16xi1>, vector<16xf32>
      %add3A_775 = arith.constant 13 : i32
      %add3A_776 = arith.addi %mul3A_125, %add3A_775 : i32
      %get3A_777 = arith.index_cast %add3A_776 : i32 to index
      %get3A_778 = arith.constant 0 : index
      %get3A_779 = tpu.vector_load %arg12[%get3A_777, %get3A_778] {strides = array<i32>} : memref<528x128xf32, #tpu.memory_space<vmem>>, vector<16xf32>,
      %mul3A_780 = arith.mulf %get3A_779, %get3A_51 : vector<16xf32>
      %get3A_781 = arith.index_cast %add3A_776 : i32 to index
      %get3A_782 = arith.constant 16 : index
      %get3A_783 = tpu.vector_load %arg12[%get3A_781, %get3A_782] {strides = array<i32>} : memref<528x128xf32, #tpu.memory_space<vmem>>, vector<16xf32>,
      %mul3A_784 = arith.mulf %get3A_783, %get3A_55 : vector<16xf32>
      %get3A_785 = arith.index_cast %add3A_776 : i32 to index
      %get3A_786 = arith.constant 32 : index
      %get3A_787 = tpu.vector_load %arg12[%get3A_785, %get3A_786] {strides = array<i32>} : memref<528x128xf32, #tpu.memory_space<vmem>>, vector<16xf32>,
      %mul3A_788 = arith.mulf %get3A_787, %get3A_59 : vector<16xf32>
      %get3A_789 = arith.index_cast %add3A_776 : i32 to index
      %get3A_790 = arith.constant 48 : index
      %get3A_791 = tpu.vector_load %arg12[%get3A_789, %get3A_790] {strides = array<i32>} : memref<528x128xf32, #tpu.memory_space<vmem>>, vector<16xf32>,
      %mul3A_792 = arith.mulf %get3A_791, %get3A_63 : vector<16xf32>
      %get3A_793 = arith.index_cast %add3A_776 : i32 to index
      %get3A_794 = arith.constant 64 : index
      %get3A_795 = tpu.vector_load %arg12[%get3A_793, %get3A_794] {strides = array<i32>} : memref<528x128xf32, #tpu.memory_space<vmem>>, vector<16xf32>,
      %mul3A_796 = arith.mulf %get3A_795, %get3A_67 : vector<16xf32>
      %get3A_797 = arith.index_cast %add3A_776 : i32 to index
      %get3A_798 = arith.constant 80 : index
      %get3A_799 = tpu.vector_load %arg12[%get3A_797, %get3A_798] {strides = array<i32>} : memref<528x128xf32, #tpu.memory_space<vmem>>, vector<16xf32>,
      %mul3A_800 = arith.mulf %get3A_799, %get3A_71 : vector<16xf32>
      %get3A_801 = arith.index_cast %add3A_776 : i32 to index
      %get3A_802 = arith.constant 96 : index
      %get3A_803 = tpu.vector_load %arg12[%get3A_801, %get3A_802] {strides = array<i32>} : memref<528x128xf32, #tpu.memory_space<vmem>>, vector<16xf32>,
      %mul3A_804 = arith.mulf %get3A_803, %get3A_75 : vector<16xf32>
      %get3A_805 = arith.index_cast %add3A_776 : i32 to index
      %get3A_806 = arith.constant 112 : index
      %get3A_807 = tpu.vector_load %arg12[%get3A_805, %get3A_806] {strides = array<i32>} : memref<528x128xf32, #tpu.memory_space<vmem>>, vector<16xf32>,
      %mul3A_808 = arith.mulf %get3A_807, %get3A_79 : vector<16xf32>
      %add3A_809 = arith.addf %mul3A_780, %mul3A_784 : vector<16xf32>
      %add3A_810 = arith.addf %mul3A_788, %mul3A_792 : vector<16xf32>
      %add3A_811 = arith.addf %mul3A_796, %mul3A_800 : vector<16xf32>
      %add3A_812 = arith.addf %mul3A_804, %mul3A_808 : vector<16xf32>
      %add3A_813 = arith.addf %add3A_809, %add3A_810 : vector<16xf32>
      %add3A_814 = arith.addf %add3A_811, %add3A_812 : vector<16xf32>
      %add3A_815 = arith.addf %add3A_813, %add3A_814 : vector<16xf32>
      %reduce_sum3A_816 = arith.constant true
      %reduce_sum3A_817 = vector.broadcast %reduce_sum3A_816 : i1 to vector<16xi1>
      %reduce_sum3A_818 = tpu.scan <sum>, %add3A_815 masked %reduce_sum3A_817 : vector<16xf32>, vector<16xi1> -> vector<16xf32>
      %reduce_sum3A_819 = vector.extract %reduce_sum3A_818[15] : f32 from vector<16xf32>
      %eq3A_820 = arith.constant 13 : i32
      %eq3A_821 = vector.broadcast %eq3A_820 : i32 to vector<16xi32>
      %eq3A_822 = arith.cmpi eq, %iota3A, %eq3A_821 : vector<16xi32>
      %broadcast_in_dim3A_823 = vector.broadcast %reduce_sum3A_819 : f32 to vector<16xf32>
      %select_n3A_824 = arith.select %eq3A_822, %broadcast_in_dim3A_823, %select_n3A_774 : vector<16xi1>, vector<16xf32>
      %add3A_825 = arith.constant 14 : i32
      %add3A_826 = arith.addi %mul3A_125, %add3A_825 : i32
      %get3A_827 = arith.index_cast %add3A_826 : i32 to index
      %get3A_828 = arith.constant 0 : index
      %get3A_829 = tpu.vector_load %arg12[%get3A_827, %get3A_828] {strides = array<i32>} : memref<528x128xf32, #tpu.memory_space<vmem>>, vector<16xf32>,
      %mul3A_830 = arith.mulf %get3A_829, %get3A_51 : vector<16xf32>
      %get3A_831 = arith.index_cast %add3A_826 : i32 to index
      %get3A_832 = arith.constant 16 : index
      %get3A_833 = tpu.vector_load %arg12[%get3A_831, %get3A_832] {strides = array<i32>} : memref<528x128xf32, #tpu.memory_space<vmem>>, vector<16xf32>,
      %mul3A_834 = arith.mulf %get3A_833, %get3A_55 : vector<16xf32>
      %get3A_835 = arith.index_cast %add3A_826 : i32 to index
      %get3A_836 = arith.constant 32 : index
      %get3A_837 = tpu.vector_load %arg12[%get3A_835, %get3A_836] {strides = array<i32>} : memref<528x128xf32, #tpu.memory_space<vmem>>, vector<16xf32>,
      %mul3A_838 = arith.mulf %get3A_837, %get3A_59 : vector<16xf32>
      %get3A_839 = arith.index_cast %add3A_826 : i32 to index
      %get3A_840 = arith.constant 48 : index
      %get3A_841 = tpu.vector_load %arg12[%get3A_839, %get3A_840] {strides = array<i32>} : memref<528x128xf32, #tpu.memory_space<vmem>>, vector<16xf32>,
      %mul3A_842 = arith.mulf %get3A_841, %get3A_63 : vector<16xf32>
      %get3A_843 = arith.index_cast %add3A_826 : i32 to index
      %get3A_844 = arith.constant 64 : index
      %get3A_845 = tpu.vector_load %arg12[%get3A_843, %get3A_844] {strides = array<i32>} : memref<528x128xf32, #tpu.memory_space<vmem>>, vector<16xf32>,
      %mul3A_846 = arith.mulf %get3A_845, %get3A_67 : vector<16xf32>
      %get3A_847 = arith.index_cast %add3A_826 : i32 to index
      %get3A_848 = arith.constant 80 : index
      %get3A_849 = tpu.vector_load %arg12[%get3A_847, %get3A_848] {strides = array<i32>} : memref<528x128xf32, #tpu.memory_space<vmem>>, vector<16xf32>,
      %mul3A_850 = arith.mulf %get3A_849, %get3A_71 : vector<16xf32>
      %get3A_851 = arith.index_cast %add3A_826 : i32 to index
      %get3A_852 = arith.constant 96 : index
      %get3A_853 = tpu.vector_load %arg12[%get3A_851, %get3A_852] {strides = array<i32>} : memref<528x128xf32, #tpu.memory_space<vmem>>, vector<16xf32>,
      %mul3A_854 = arith.mulf %get3A_853, %get3A_75 : vector<16xf32>
      %get3A_855 = arith.index_cast %add3A_826 : i32 to index
      %get3A_856 = arith.constant 112 : index
      %get3A_857 = tpu.vector_load %arg12[%get3A_855, %get3A_856] {strides = array<i32>} : memref<528x128xf32, #tpu.memory_space<vmem>>, vector<16xf32>,
      %mul3A_858 = arith.mulf %get3A_857, %get3A_79 : vector<16xf32>
      %add3A_859 = arith.addf %mul3A_830, %mul3A_834 : vector<16xf32>
      %add3A_860 = arith.addf %mul3A_838, %mul3A_842 : vector<16xf32>
      %add3A_861 = arith.addf %mul3A_846, %mul3A_850 : vector<16xf32>
      %add3A_862 = arith.addf %mul3A_854, %mul3A_858 : vector<16xf32>
      %add3A_863 = arith.addf %add3A_859, %add3A_860 : vector<16xf32>
      %add3A_864 = arith.addf %add3A_861, %add3A_862 : vector<16xf32>
      %add3A_865 = arith.addf %add3A_863, %add3A_864 : vector<16xf32>
      %reduce_sum3A_866 = arith.constant true
      %reduce_sum3A_867 = vector.broadcast %reduce_sum3A_866 : i1 to vector<16xi1>
      %reduce_sum3A_868 = tpu.scan <sum>, %add3A_865 masked %reduce_sum3A_867 : vector<16xf32>, vector<16xi1> -> vector<16xf32>
      %reduce_sum3A_869 = vector.extract %reduce_sum3A_868[15] : f32 from vector<16xf32>
      %eq3A_870 = arith.constant 14 : i32
      %eq3A_871 = vector.broadcast %eq3A_870 : i32 to vector<16xi32>
      %eq3A_872 = arith.cmpi eq, %iota3A, %eq3A_871 : vector<16xi32>
      %broadcast_in_dim3A_873 = vector.broadcast %reduce_sum3A_869 : f32 to vector<16xf32>
      %select_n3A_874 = arith.select %eq3A_872, %broadcast_in_dim3A_873, %select_n3A_824 : vector<16xi1>, vector<16xf32>
      %add3A_875 = arith.constant 15 : i32
      %add3A_876 = arith.addi %mul3A_125, %add3A_875 : i32
      %get3A_877 = arith.index_cast %add3A_876 : i32 to index
      %get3A_878 = arith.constant 0 : index
      %get3A_879 = tpu.vector_load %arg12[%get3A_877, %get3A_878] {strides = array<i32>} : memref<528x128xf32, #tpu.memory_space<vmem>>, vector<16xf32>,
      %mul3A_880 = arith.mulf %get3A_879, %get3A_51 : vector<16xf32>
      %get3A_881 = arith.index_cast %add3A_876 : i32 to index
      %get3A_882 = arith.constant 16 : index
      %get3A_883 = tpu.vector_load %arg12[%get3A_881, %get3A_882] {strides = array<i32>} : memref<528x128xf32, #tpu.memory_space<vmem>>, vector<16xf32>,
      %mul3A_884 = arith.mulf %get3A_883, %get3A_55 : vector<16xf32>
      %get3A_885 = arith.index_cast %add3A_876 : i32 to index
      %get3A_886 = arith.constant 32 : index
      %get3A_887 = tpu.vector_load %arg12[%get3A_885, %get3A_886] {strides = array<i32>} : memref<528x128xf32, #tpu.memory_space<vmem>>, vector<16xf32>,
      %mul3A_888 = arith.mulf %get3A_887, %get3A_59 : vector<16xf32>
      %get3A_889 = arith.index_cast %add3A_876 : i32 to index
      %get3A_890 = arith.constant 48 : index
      %get3A_891 = tpu.vector_load %arg12[%get3A_889, %get3A_890] {strides = array<i32>} : memref<528x128xf32, #tpu.memory_space<vmem>>, vector<16xf32>,
      %mul3A_892 = arith.mulf %get3A_891, %get3A_63 : vector<16xf32>
      %get3A_893 = arith.index_cast %add3A_876 : i32 to index
      %get3A_894 = arith.constant 64 : index
      %get3A_895 = tpu.vector_load %arg12[%get3A_893, %get3A_894] {strides = array<i32>} : memref<528x128xf32, #tpu.memory_space<vmem>>, vector<16xf32>,
      %mul3A_896 = arith.mulf %get3A_895, %get3A_67 : vector<16xf32>
      %get3A_897 = arith.index_cast %add3A_876 : i32 to index
      %get3A_898 = arith.constant 80 : index
      %get3A_899 = tpu.vector_load %arg12[%get3A_897, %get3A_898] {strides = array<i32>} : memref<528x128xf32, #tpu.memory_space<vmem>>, vector<16xf32>,
      %mul3A_900 = arith.mulf %get3A_899, %get3A_71 : vector<16xf32>
      %get3A_901 = arith.index_cast %add3A_876 : i32 to index
      %get3A_902 = arith.constant 96 : index
      %get3A_903 = tpu.vector_load %arg12[%get3A_901, %get3A_902] {strides = array<i32>} : memref<528x128xf32, #tpu.memory_space<vmem>>, vector<16xf32>,
      %mul3A_904 = arith.mulf %get3A_903, %get3A_75 : vector<16xf32>
      %get3A_905 = arith.index_cast %add3A_876 : i32 to index
      %get3A_906 = arith.constant 112 : index
      %get3A_907 = tpu.vector_load %arg12[%get3A_905, %get3A_906] {strides = array<i32>} : memref<528x128xf32, #tpu.memory_space<vmem>>, vector<16xf32>,
      %mul3A_908 = arith.mulf %get3A_907, %get3A_79 : vector<16xf32>
      %add3A_909 = arith.addf %mul3A_880, %mul3A_884 : vector<16xf32>
      %add3A_910 = arith.addf %mul3A_888, %mul3A_892 : vector<16xf32>
      %add3A_911 = arith.addf %mul3A_896, %mul3A_900 : vector<16xf32>
      %add3A_912 = arith.addf %mul3A_904, %mul3A_908 : vector<16xf32>
      %add3A_913 = arith.addf %add3A_909, %add3A_910 : vector<16xf32>
      %add3A_914 = arith.addf %add3A_911, %add3A_912 : vector<16xf32>
      %add3A_915 = arith.addf %add3A_913, %add3A_914 : vector<16xf32>
      %reduce_sum3A_916 = arith.constant true
      %reduce_sum3A_917 = vector.broadcast %reduce_sum3A_916 : i1 to vector<16xi1>
      %reduce_sum3A_918 = tpu.scan <sum>, %add3A_915 masked %reduce_sum3A_917 : vector<16xf32>, vector<16xi1> -> vector<16xf32>
      %reduce_sum3A_919 = vector.extract %reduce_sum3A_918[15] : f32 from vector<16xf32>
      %eq3A_920 = arith.constant 15 : i32
      %eq3A_921 = vector.broadcast %eq3A_920 : i32 to vector<16xi32>
      %eq3A_922 = arith.cmpi eq, %iota3A, %eq3A_921 : vector<16xi32>
      %broadcast_in_dim3A_923 = vector.broadcast %reduce_sum3A_919 : f32 to vector<16xf32>
      %select_n3A_924 = arith.select %eq3A_922, %broadcast_in_dim3A_923, %select_n3A_874 : vector<16xi1>, vector<16xf32>
      %neg3A = arith.constant 0.000000e+00 : f32
      %neg3A_925 = vector.broadcast %neg3A : f32 to vector<16xf32>
      %neg3A_926 = arith.subf %neg3A_925, %select_n3A_924 : vector<16xf32>
      %exp3A = math.exp %neg3A_926 : vector<16xf32>
      %add3A_927 = arith.constant 1.000000e+00 : f32
      %add3A_928 = vector.broadcast %add3A_927 : f32 to vector<16xf32>
      %add3A_929 = arith.addf %add3A_928, %exp3A : vector<16xf32>
      %div3A = arith.constant 1.000000e+00 : f32
      %div3A_930 = vector.broadcast %div3A : f32 to vector<16xf32>
      %div3A_931 = arith.divf %div3A_930, %add3A_929 : vector<16xf32>
      %swap3A = arith.index_cast %mul3A_125 : i32 to index
      %swap3A_932 = tpu.vector_load %arg14[%swap3A] {strides = array<i32>} : memref<528xf32, #tpu.memory_space<vmem>>, vector<16xf32>,
      tpu.vector_store %arg14[%swap3A], %div3A_931 {strides = array<i32>} : memref<528xf32, #tpu.memory_space<vmem>>, vector<16xf32>,
      %while3A_933 = arith.constant 0 : i32
      scf.yield %while3A_933 : i32
    }
    %while3A_96 = arith.constant 1 : i32
    %while3A_97 = scf.for %while3A_103 = %while3A_93 to %while3A_89 step %while3A_96 iter_args(%while3A_104 = %while3A_95) -> (i32)  : i32 {
      %eq3A = arith.constant 0 : i32
      %eq3A_105 = arith.cmpi eq, %while3A_103, %eq3A : i32
      %convert_element_type3A_106 = arith.extui %eq3A_105 : i1 to i32
      %cond3A_107 = arith.constant 0 : i32
      %cond3A_108 = arith.cmpi ne, %convert_element_type3A_106, %cond3A_107 : i32
      scf.if %cond3A_108 {
        %dma_wait3A_934 = arith.constant 0 : i32
        %dma_wait3A_935 = arith.constant 0 : i32
        %dma_wait3A_936 = tpu.memref_slice %arg12[%dma_wait3A_934, %dma_wait3A_935] : memref<528x128xf32, #tpu.memory_space<vmem>> -> memref<128x128xf32, #tpu.memory_space<vmem>>
        %dma_wait3A_937 = arith.constant 0 : i32
        %dma_wait3A_938 = tpu.memref_slice %arg11[%while3A, %dma_wait3A_937] : memref<4x128xi32, #tpu.memory_space<vmem>> -> memref<1x128xi32, #tpu.memory_space<vmem>>
        %dma_wait3A_939 = tpu.memref_squeeze %dma_wait3A_938 : memref<1x128xi32, #tpu.memory_space<vmem>> -> memref<128xi32, #tpu.memory_space<vmem>>
        %dma_wait3A_940 = arith.constant 0 : i32
        %dma_wait3A_941 = arith.constant 0 : i32
        %dma_wait3A_942 = tpu.memref_slice %arg6[%dma_wait3A_940, %dma_wait3A_941] : memref<100000x128xf32, #tpu.memory_space<hbm>> -> memref<100000x128xf32, #tpu.memory_space<hbm>>
        tpu.wait_indirect_dma semaphore(%arg15 : memref<!tpu.dma_semaphore, #tpu.memory_space<semaphore_mem>>) src(%dma_wait3A_942 : memref<100000x128xf32, #tpu.memory_space<hbm>>) dst(%dma_wait3A_936 : memref<128x128xf32, #tpu.memory_space<vmem>>)
      } else {
      }
      %eq3A_109 = arith.constant 8 : i32
      %eq3A_110 = arith.cmpi eq, %while3A_103, %eq3A_109 : i32
      %convert_element_type3A_111 = arith.extui %eq3A_110 : i1 to i32
      %cond3A_112 = arith.constant 0 : i32
      %cond3A_113 = arith.cmpi ne, %convert_element_type3A_111, %cond3A_112 : i32
      scf.if %cond3A_113 {
        %dma_wait3A_934 = arith.constant 128 : i32
        %dma_wait3A_935 = arith.constant 0 : i32
        %dma_wait3A_936 = tpu.memref_slice %arg12[%dma_wait3A_934, %dma_wait3A_935] : memref<528x128xf32, #tpu.memory_space<vmem>> -> memref<128x128xf32, #tpu.memory_space<vmem>>
        %dma_wait3A_937 = arith.constant 0 : i32
        %dma_wait3A_938 = tpu.memref_slice %arg11[%while3A_83, %dma_wait3A_937] : memref<4x128xi32, #tpu.memory_space<vmem>> -> memref<1x128xi32, #tpu.memory_space<vmem>>
        %dma_wait3A_939 = tpu.memref_squeeze %dma_wait3A_938 : memref<1x128xi32, #tpu.memory_space<vmem>> -> memref<128xi32, #tpu.memory_space<vmem>>
        %dma_wait3A_940 = arith.constant 0 : i32
        %dma_wait3A_941 = arith.constant 0 : i32
        %dma_wait3A_942 = tpu.memref_slice %arg6[%dma_wait3A_940, %dma_wait3A_941] : memref<100000x128xf32, #tpu.memory_space<hbm>> -> memref<100000x128xf32, #tpu.memory_space<hbm>>
        tpu.wait_indirect_dma semaphore(%arg16 : memref<!tpu.dma_semaphore, #tpu.memory_space<semaphore_mem>>) src(%dma_wait3A_942 : memref<100000x128xf32, #tpu.memory_space<hbm>>) dst(%dma_wait3A_936 : memref<128x128xf32, #tpu.memory_space<vmem>>)
      } else {
      }
      %eq3A_114 = arith.constant 16 : i32
      %eq3A_115 = arith.cmpi eq, %while3A_103, %eq3A_114 : i32
      %convert_element_type3A_116 = arith.extui %eq3A_115 : i1 to i32
      %cond3A_117 = arith.constant 0 : i32
      %cond3A_118 = arith.cmpi ne, %convert_element_type3A_116, %cond3A_117 : i32
      scf.if %cond3A_118 {
        %dma_wait3A_934 = arith.constant 256 : i32
        %dma_wait3A_935 = arith.constant 0 : i32
        %dma_wait3A_936 = tpu.memref_slice %arg12[%dma_wait3A_934, %dma_wait3A_935] : memref<528x128xf32, #tpu.memory_space<vmem>> -> memref<128x128xf32, #tpu.memory_space<vmem>>
        %dma_wait3A_937 = arith.constant 0 : i32
        %dma_wait3A_938 = tpu.memref_slice %arg11[%while3A_84, %dma_wait3A_937] : memref<4x128xi32, #tpu.memory_space<vmem>> -> memref<1x128xi32, #tpu.memory_space<vmem>>
        %dma_wait3A_939 = tpu.memref_squeeze %dma_wait3A_938 : memref<1x128xi32, #tpu.memory_space<vmem>> -> memref<128xi32, #tpu.memory_space<vmem>>
        %dma_wait3A_940 = arith.constant 0 : i32
        %dma_wait3A_941 = arith.constant 0 : i32
        %dma_wait3A_942 = tpu.memref_slice %arg6[%dma_wait3A_940, %dma_wait3A_941] : memref<100000x128xf32, #tpu.memory_space<hbm>> -> memref<100000x128xf32, #tpu.memory_space<hbm>>
        tpu.wait_indirect_dma semaphore(%arg17 : memref<!tpu.dma_semaphore, #tpu.memory_space<semaphore_mem>>) src(%dma_wait3A_942 : memref<100000x128xf32, #tpu.memory_space<hbm>>) dst(%dma_wait3A_936 : memref<128x128xf32, #tpu.memory_space<vmem>>)
      } else {
      }
      %eq3A_119 = arith.constant 24 : i32
      %eq3A_120 = arith.cmpi eq, %while3A_103, %eq3A_119 : i32
      %convert_element_type3A_121 = arith.extui %eq3A_120 : i1 to i32
      %cond3A_122 = arith.constant 0 : i32
      %cond3A_123 = arith.cmpi ne, %convert_element_type3A_121, %cond3A_122 : i32
      scf.if %cond3A_123 {
        %dma_wait3A_934 = arith.constant 384 : i32
        %dma_wait3A_935 = arith.constant 0 : i32
        %dma_wait3A_936 = tpu.memref_slice %arg12[%dma_wait3A_934, %dma_wait3A_935] : memref<528x128xf32, #tpu.memory_space<vmem>> -> memref<128x128xf32, #tpu.memory_space<vmem>>
        %dma_wait3A_937 = arith.constant 0 : i32
        %dma_wait3A_938 = tpu.memref_slice %arg11[%while3A_85, %dma_wait3A_937] : memref<4x128xi32, #tpu.memory_space<vmem>> -> memref<1x128xi32, #tpu.memory_space<vmem>>
        %dma_wait3A_939 = tpu.memref_squeeze %dma_wait3A_938 : memref<1x128xi32, #tpu.memory_space<vmem>> -> memref<128xi32, #tpu.memory_space<vmem>>
        %dma_wait3A_940 = arith.constant 0 : i32
        %dma_wait3A_941 = arith.constant 0 : i32
        %dma_wait3A_942 = tpu.memref_slice %arg6[%dma_wait3A_940, %dma_wait3A_941] : memref<100000x128xf32, #tpu.memory_space<hbm>> -> memref<100000x128xf32, #tpu.memory_space<hbm>>
        tpu.wait_indirect_dma semaphore(%arg18 : memref<!tpu.dma_semaphore, #tpu.memory_space<semaphore_mem>>) src(%dma_wait3A_942 : memref<100000x128xf32, #tpu.memory_space<hbm>>) dst(%dma_wait3A_936 : memref<128x128xf32, #tpu.memory_space<vmem>>)
      } else {
      }
      %mul3A_124 = arith.constant 16 : i32
      %mul3A_125 = arith.muli %while3A_103, %mul3A_124 : i32
      %iota3A = tpu.iota {dimensions = array<i32: 0>} : vector<16xi32>
      %broadcast_in_dim3A = arith.constant 0.000000e+00 : f32
      %broadcast_in_dim3A_126 = vector.broadcast %broadcast_in_dim3A : f32 to vector<16xf32>
      %add3A_127 = arith.constant 0 : i32
      %add3A_128 = arith.addi %mul3A_125, %add3A_127 : i32
      %get3A_129 = arith.index_cast %add3A_128 : i32 to index
      %get3A_130 = arith.constant 0 : index
      %get3A_131 = tpu.vector_load %arg12[%get3A_129, %get3A_130] {strides = array<i32>} : memref<528x128xf32, #tpu.memory_space<vmem>>, vector<16xf32>,
      %mul3A_132 = arith.mulf %get3A_131, %get3A_51 : vector<16xf32>
      %get3A_133 = arith.index_cast %add3A_128 : i32 to index
      %get3A_134 = arith.constant 16 : index
      %get3A_135 = tpu.vector_load %arg12[%get3A_133, %get3A_134] {strides = array<i32>} : memref<528x128xf32, #tpu.memory_space<vmem>>, vector<16xf32>,
      %mul3A_136 = arith.mulf %get3A_135, %get3A_55 : vector<16xf32>
      %get3A_137 = arith.index_cast %add3A_128 : i32 to index
      %get3A_138 = arith.constant 32 : index
      %get3A_139 = tpu.vector_load %arg12[%get3A_137, %get3A_138] {strides = array<i32>} : memref<528x128xf32, #tpu.memory_space<vmem>>, vector<16xf32>,
      %mul3A_140 = arith.mulf %get3A_139, %get3A_59 : vector<16xf32>
      %get3A_141 = arith.index_cast %add3A_128 : i32 to index
      %get3A_142 = arith.constant 48 : index
      %get3A_143 = tpu.vector_load %arg12[%get3A_141, %get3A_142] {strides = array<i32>} : memref<528x128xf32, #tpu.memory_space<vmem>>, vector<16xf32>,
      %mul3A_144 = arith.mulf %get3A_143, %get3A_63 : vector<16xf32>
      %get3A_145 = arith.index_cast %add3A_128 : i32 to index
      %get3A_146 = arith.constant 64 : index
      %get3A_147 = tpu.vector_load %arg12[%get3A_145, %get3A_146] {strides = array<i32>} : memref<528x128xf32, #tpu.memory_space<vmem>>, vector<16xf32>,
      %mul3A_148 = arith.mulf %get3A_147, %get3A_67 : vector<16xf32>
      %get3A_149 = arith.index_cast %add3A_128 : i32 to index
      %get3A_150 = arith.constant 80 : index
      %get3A_151 = tpu.vector_load %arg12[%get3A_149, %get3A_150] {strides = array<i32>} : memref<528x128xf32, #tpu.memory_space<vmem>>, vector<16xf32>,
      %mul3A_152 = arith.mulf %get3A_151, %get3A_71 : vector<16xf32>
      %get3A_153 = arith.index_cast %add3A_128 : i32 to index
      %get3A_154 = arith.constant 96 : index
      %get3A_155 = tpu.vector_load %arg12[%get3A_153, %get3A_154] {strides = array<i32>} : memref<528x128xf32, #tpu.memory_space<vmem>>, vector<16xf32>,
      %mul3A_156 = arith.mulf %get3A_155, %get3A_75 : vector<16xf32>
      %get3A_157 = arith.index_cast %add3A_128 : i32 to index
      %get3A_158 = arith.constant 112 : index
      %get3A_159 = tpu.vector_load %arg12[%get3A_157, %get3A_158] {strides = array<i32>} : memref<528x128xf32, #tpu.memory_space<vmem>>, vector<16xf32>,
      %mul3A_160 = arith.mulf %get3A_159, %get3A_79 : vector<16xf32>
      %add3A_161 = arith.addf %mul3A_132, %mul3A_136 : vector<16xf32>
      %add3A_162 = arith.addf %mul3A_140, %mul3A_144 : vector<16xf32>
      %add3A_163 = arith.addf %mul3A_148, %mul3A_152 : vector<16xf32>
      %add3A_164 = arith.addf %mul3A_156, %mul3A_160 : vector<16xf32>
      %add3A_165 = arith.addf %add3A_161, %add3A_162 : vector<16xf32>
      %add3A_166 = arith.addf %add3A_163, %add3A_164 : vector<16xf32>
      %add3A_167 = arith.addf %add3A_165, %add3A_166 : vector<16xf32>
      %reduce_sum3A = arith.constant true
      %reduce_sum3A_168 = vector.broadcast %reduce_sum3A : i1 to vector<16xi1>
      %reduce_sum3A_169 = tpu.scan <sum>, %add3A_167 masked %reduce_sum3A_168 : vector<16xf32>, vector<16xi1> -> vector<16xf32>
      %reduce_sum3A_170 = vector.extract %reduce_sum3A_169[15] : f32 from vector<16xf32>
      %eq3A_171 = arith.constant 0 : i32
      %eq3A_172 = vector.broadcast %eq3A_171 : i32 to vector<16xi32>
      %eq3A_173 = arith.cmpi eq, %iota3A, %eq3A_172 : vector<16xi32>
      %broadcast_in_dim3A_174 = vector.broadcast %reduce_sum3A_170 : f32 to vector<16xf32>
      %select_n3A = arith.select %eq3A_173, %broadcast_in_dim3A_174, %broadcast_in_dim3A_126 : vector<16xi1>, vector<16xf32>
      %add3A_175 = arith.constant 1 : i32
      %add3A_176 = arith.addi %mul3A_125, %add3A_175 : i32
      %get3A_177 = arith.index_cast %add3A_176 : i32 to index
      %get3A_178 = arith.constant 0 : index
      %get3A_179 = tpu.vector_load %arg12[%get3A_177, %get3A_178] {strides = array<i32>} : memref<528x128xf32, #tpu.memory_space<vmem>>, vector<16xf32>,
      %mul3A_180 = arith.mulf %get3A_179, %get3A_51 : vector<16xf32>
      %get3A_181 = arith.index_cast %add3A_176 : i32 to index
      %get3A_182 = arith.constant 16 : index
      %get3A_183 = tpu.vector_load %arg12[%get3A_181, %get3A_182] {strides = array<i32>} : memref<528x128xf32, #tpu.memory_space<vmem>>, vector<16xf32>,
      %mul3A_184 = arith.mulf %get3A_183, %get3A_55 : vector<16xf32>
      %get3A_185 = arith.index_cast %add3A_176 : i32 to index
      %get3A_186 = arith.constant 32 : index
      %get3A_187 = tpu.vector_load %arg12[%get3A_185, %get3A_186] {strides = array<i32>} : memref<528x128xf32, #tpu.memory_space<vmem>>, vector<16xf32>,
      %mul3A_188 = arith.mulf %get3A_187, %get3A_59 : vector<16xf32>
      %get3A_189 = arith.index_cast %add3A_176 : i32 to index
      %get3A_190 = arith.constant 48 : index
      %get3A_191 = tpu.vector_load %arg12[%get3A_189, %get3A_190] {strides = array<i32>} : memref<528x128xf32, #tpu.memory_space<vmem>>, vector<16xf32>,
      %mul3A_192 = arith.mulf %get3A_191, %get3A_63 : vector<16xf32>
      %get3A_193 = arith.index_cast %add3A_176 : i32 to index
      %get3A_194 = arith.constant 64 : index
      %get3A_195 = tpu.vector_load %arg12[%get3A_193, %get3A_194] {strides = array<i32>} : memref<528x128xf32, #tpu.memory_space<vmem>>, vector<16xf32>,
      %mul3A_196 = arith.mulf %get3A_195, %get3A_67 : vector<16xf32>
      %get3A_197 = arith.index_cast %add3A_176 : i32 to index
      %get3A_198 = arith.constant 80 : index
      %get3A_199 = tpu.vector_load %arg12[%get3A_197, %get3A_198] {strides = array<i32>} : memref<528x128xf32, #tpu.memory_space<vmem>>, vector<16xf32>,
      %mul3A_200 = arith.mulf %get3A_199, %get3A_71 : vector<16xf32>
      %get3A_201 = arith.index_cast %add3A_176 : i32 to index
      %get3A_202 = arith.constant 96 : index
      %get3A_203 = tpu.vector_load %arg12[%get3A_201, %get3A_202] {strides = array<i32>} : memref<528x128xf32, #tpu.memory_space<vmem>>, vector<16xf32>,
      %mul3A_204 = arith.mulf %get3A_203, %get3A_75 : vector<16xf32>
      %get3A_205 = arith.index_cast %add3A_176 : i32 to index
      %get3A_206 = arith.constant 112 : index
      %get3A_207 = tpu.vector_load %arg12[%get3A_205, %get3A_206] {strides = array<i32>} : memref<528x128xf32, #tpu.memory_space<vmem>>, vector<16xf32>,
      %mul3A_208 = arith.mulf %get3A_207, %get3A_79 : vector<16xf32>
      %add3A_209 = arith.addf %mul3A_180, %mul3A_184 : vector<16xf32>
      %add3A_210 = arith.addf %mul3A_188, %mul3A_192 : vector<16xf32>
      %add3A_211 = arith.addf %mul3A_196, %mul3A_200 : vector<16xf32>
      %add3A_212 = arith.addf %mul3A_204, %mul3A_208 : vector<16xf32>
      %add3A_213 = arith.addf %add3A_209, %add3A_210 : vector<16xf32>
      %add3A_214 = arith.addf %add3A_211, %add3A_212 : vector<16xf32>
      %add3A_215 = arith.addf %add3A_213, %add3A_214 : vector<16xf32>
      %reduce_sum3A_216 = arith.constant true
      %reduce_sum3A_217 = vector.broadcast %reduce_sum3A_216 : i1 to vector<16xi1>
      %reduce_sum3A_218 = tpu.scan <sum>, %add3A_215 masked %reduce_sum3A_217 : vector<16xf32>, vector<16xi1> -> vector<16xf32>
      %reduce_sum3A_219 = vector.extract %reduce_sum3A_218[15] : f32 from vector<16xf32>
      %eq3A_220 = arith.constant 1 : i32
      %eq3A_221 = vector.broadcast %eq3A_220 : i32 to vector<16xi32>
      %eq3A_222 = arith.cmpi eq, %iota3A, %eq3A_221 : vector<16xi32>
      %broadcast_in_dim3A_223 = vector.broadcast %reduce_sum3A_219 : f32 to vector<16xf32>
      %select_n3A_224 = arith.select %eq3A_222, %broadcast_in_dim3A_223, %select_n3A : vector<16xi1>, vector<16xf32>
      %add3A_225 = arith.constant 2 : i32
      %add3A_226 = arith.addi %mul3A_125, %add3A_225 : i32
      %get3A_227 = arith.index_cast %add3A_226 : i32 to index
      %get3A_228 = arith.constant 0 : index
      %get3A_229 = tpu.vector_load %arg12[%get3A_227, %get3A_228] {strides = array<i32>} : memref<528x128xf32, #tpu.memory_space<vmem>>, vector<16xf32>,
      %mul3A_230 = arith.mulf %get3A_229, %get3A_51 : vector<16xf32>
      %get3A_231 = arith.index_cast %add3A_226 : i32 to index
      %get3A_232 = arith.constant 16 : index
      %get3A_233 = tpu.vector_load %arg12[%get3A_231, %get3A_232] {strides = array<i32>} : memref<528x128xf32, #tpu.memory_space<vmem>>, vector<16xf32>,
      %mul3A_234 = arith.mulf %get3A_233, %get3A_55 : vector<16xf32>
      %get3A_235 = arith.index_cast %add3A_226 : i32 to index
      %get3A_236 = arith.constant 32 : index
      %get3A_237 = tpu.vector_load %arg12[%get3A_235, %get3A_236] {strides = array<i32>} : memref<528x128xf32, #tpu.memory_space<vmem>>, vector<16xf32>,
      %mul3A_238 = arith.mulf %get3A_237, %get3A_59 : vector<16xf32>
      %get3A_239 = arith.index_cast %add3A_226 : i32 to index
      %get3A_240 = arith.constant 48 : index
      %get3A_241 = tpu.vector_load %arg12[%get3A_239, %get3A_240] {strides = array<i32>} : memref<528x128xf32, #tpu.memory_space<vmem>>, vector<16xf32>,
      %mul3A_242 = arith.mulf %get3A_241, %get3A_63 : vector<16xf32>
      %get3A_243 = arith.index_cast %add3A_226 : i32 to index
      %get3A_244 = arith.constant 64 : index
      %get3A_245 = tpu.vector_load %arg12[%get3A_243, %get3A_244] {strides = array<i32>} : memref<528x128xf32, #tpu.memory_space<vmem>>, vector<16xf32>,
      %mul3A_246 = arith.mulf %get3A_245, %get3A_67 : vector<16xf32>
      %get3A_247 = arith.index_cast %add3A_226 : i32 to index
      %get3A_248 = arith.constant 80 : index
      %get3A_249 = tpu.vector_load %arg12[%get3A_247, %get3A_248] {strides = array<i32>} : memref<528x128xf32, #tpu.memory_space<vmem>>, vector<16xf32>,
      %mul3A_250 = arith.mulf %get3A_249, %get3A_71 : vector<16xf32>
      %get3A_251 = arith.index_cast %add3A_226 : i32 to index
      %get3A_252 = arith.constant 96 : index
      %get3A_253 = tpu.vector_load %arg12[%get3A_251, %get3A_252] {strides = array<i32>} : memref<528x128xf32, #tpu.memory_space<vmem>>, vector<16xf32>,
      %mul3A_254 = arith.mulf %get3A_253, %get3A_75 : vector<16xf32>
      %get3A_255 = arith.index_cast %add3A_226 : i32 to index
      %get3A_256 = arith.constant 112 : index
      %get3A_257 = tpu.vector_load %arg12[%get3A_255, %get3A_256] {strides = array<i32>} : memref<528x128xf32, #tpu.memory_space<vmem>>, vector<16xf32>,
      %mul3A_258 = arith.mulf %get3A_257, %get3A_79 : vector<16xf32>
      %add3A_259 = arith.addf %mul3A_230, %mul3A_234 : vector<16xf32>
      %add3A_260 = arith.addf %mul3A_238, %mul3A_242 : vector<16xf32>
      %add3A_261 = arith.addf %mul3A_246, %mul3A_250 : vector<16xf32>
      %add3A_262 = arith.addf %mul3A_254, %mul3A_258 : vector<16xf32>
      %add3A_263 = arith.addf %add3A_259, %add3A_260 : vector<16xf32>
      %add3A_264 = arith.addf %add3A_261, %add3A_262 : vector<16xf32>
      %add3A_265 = arith.addf %add3A_263, %add3A_264 : vector<16xf32>
      %reduce_sum3A_266 = arith.constant true
      %reduce_sum3A_267 = vector.broadcast %reduce_sum3A_266 : i1 to vector<16xi1>
      %reduce_sum3A_268 = tpu.scan <sum>, %add3A_265 masked %reduce_sum3A_267 : vector<16xf32>, vector<16xi1> -> vector<16xf32>
      %reduce_sum3A_269 = vector.extract %reduce_sum3A_268[15] : f32 from vector<16xf32>
      %eq3A_270 = arith.constant 2 : i32
      %eq3A_271 = vector.broadcast %eq3A_270 : i32 to vector<16xi32>
      %eq3A_272 = arith.cmpi eq, %iota3A, %eq3A_271 : vector<16xi32>
      %broadcast_in_dim3A_273 = vector.broadcast %reduce_sum3A_269 : f32 to vector<16xf32>
      %select_n3A_274 = arith.select %eq3A_272, %broadcast_in_dim3A_273, %select_n3A_224 : vector<16xi1>, vector<16xf32>
      %add3A_275 = arith.constant 3 : i32
      %add3A_276 = arith.addi %mul3A_125, %add3A_275 : i32
      %get3A_277 = arith.index_cast %add3A_276 : i32 to index
      %get3A_278 = arith.constant 0 : index
      %get3A_279 = tpu.vector_load %arg12[%get3A_277, %get3A_278] {strides = array<i32>} : memref<528x128xf32, #tpu.memory_space<vmem>>, vector<16xf32>,
      %mul3A_280 = arith.mulf %get3A_279, %get3A_51 : vector<16xf32>
      %get3A_281 = arith.index_cast %add3A_276 : i32 to index
      %get3A_282 = arith.constant 16 : index
      %get3A_283 = tpu.vector_load %arg12[%get3A_281, %get3A_282] {strides = array<i32>} : memref<528x128xf32, #tpu.memory_space<vmem>>, vector<16xf32>,
      %mul3A_284 = arith.mulf %get3A_283, %get3A_55 : vector<16xf32>
      %get3A_285 = arith.index_cast %add3A_276 : i32 to index
      %get3A_286 = arith.constant 32 : index
      %get3A_287 = tpu.vector_load %arg12[%get3A_285, %get3A_286] {strides = array<i32>} : memref<528x128xf32, #tpu.memory_space<vmem>>, vector<16xf32>,
      %mul3A_288 = arith.mulf %get3A_287, %get3A_59 : vector<16xf32>
      %get3A_289 = arith.index_cast %add3A_276 : i32 to index
      %get3A_290 = arith.constant 48 : index
      %get3A_291 = tpu.vector_load %arg12[%get3A_289, %get3A_290] {strides = array<i32>} : memref<528x128xf32, #tpu.memory_space<vmem>>, vector<16xf32>,
      %mul3A_292 = arith.mulf %get3A_291, %get3A_63 : vector<16xf32>
      %get3A_293 = arith.index_cast %add3A_276 : i32 to index
      %get3A_294 = arith.constant 64 : index
      %get3A_295 = tpu.vector_load %arg12[%get3A_293, %get3A_294] {strides = array<i32>} : memref<528x128xf32, #tpu.memory_space<vmem>>, vector<16xf32>,
      %mul3A_296 = arith.mulf %get3A_295, %get3A_67 : vector<16xf32>
      %get3A_297 = arith.index_cast %add3A_276 : i32 to index
      %get3A_298 = arith.constant 80 : index
      %get3A_299 = tpu.vector_load %arg12[%get3A_297, %get3A_298] {strides = array<i32>} : memref<528x128xf32, #tpu.memory_space<vmem>>, vector<16xf32>,
      %mul3A_300 = arith.mulf %get3A_299, %get3A_71 : vector<16xf32>
      %get3A_301 = arith.index_cast %add3A_276 : i32 to index
      %get3A_302 = arith.constant 96 : index
      %get3A_303 = tpu.vector_load %arg12[%get3A_301, %get3A_302] {strides = array<i32>} : memref<528x128xf32, #tpu.memory_space<vmem>>, vector<16xf32>,
      %mul3A_304 = arith.mulf %get3A_303, %get3A_75 : vector<16xf32>
      %get3A_305 = arith.index_cast %add3A_276 : i32 to index
      %get3A_306 = arith.constant 112 : index
      %get3A_307 = tpu.vector_load %arg12[%get3A_305, %get3A_306] {strides = array<i32>} : memref<528x128xf32, #tpu.memory_space<vmem>>, vector<16xf32>,
      %mul3A_308 = arith.mulf %get3A_307, %get3A_79 : vector<16xf32>
      %add3A_309 = arith.addf %mul3A_280, %mul3A_284 : vector<16xf32>
      %add3A_310 = arith.addf %mul3A_288, %mul3A_292 : vector<16xf32>
      %add3A_311 = arith.addf %mul3A_296, %mul3A_300 : vector<16xf32>
      %add3A_312 = arith.addf %mul3A_304, %mul3A_308 : vector<16xf32>
      %add3A_313 = arith.addf %add3A_309, %add3A_310 : vector<16xf32>
      %add3A_314 = arith.addf %add3A_311, %add3A_312 : vector<16xf32>
      %add3A_315 = arith.addf %add3A_313, %add3A_314 : vector<16xf32>
      %reduce_sum3A_316 = arith.constant true
      %reduce_sum3A_317 = vector.broadcast %reduce_sum3A_316 : i1 to vector<16xi1>
      %reduce_sum3A_318 = tpu.scan <sum>, %add3A_315 masked %reduce_sum3A_317 : vector<16xf32>, vector<16xi1> -> vector<16xf32>
      %reduce_sum3A_319 = vector.extract %reduce_sum3A_318[15] : f32 from vector<16xf32>
      %eq3A_320 = arith.constant 3 : i32
      %eq3A_321 = vector.broadcast %eq3A_320 : i32 to vector<16xi32>
      %eq3A_322 = arith.cmpi eq, %iota3A, %eq3A_321 : vector<16xi32>
      %broadcast_in_dim3A_323 = vector.broadcast %reduce_sum3A_319 : f32 to vector<16xf32>
      %select_n3A_324 = arith.select %eq3A_322, %broadcast_in_dim3A_323, %select_n3A_274 : vector<16xi1>, vector<16xf32>
      %add3A_325 = arith.constant 4 : i32
      %add3A_326 = arith.addi %mul3A_125, %add3A_325 : i32
      %get3A_327 = arith.index_cast %add3A_326 : i32 to index
      %get3A_328 = arith.constant 0 : index
      %get3A_329 = tpu.vector_load %arg12[%get3A_327, %get3A_328] {strides = array<i32>} : memref<528x128xf32, #tpu.memory_space<vmem>>, vector<16xf32>,
      %mul3A_330 = arith.mulf %get3A_329, %get3A_51 : vector<16xf32>
      %get3A_331 = arith.index_cast %add3A_326 : i32 to index
      %get3A_332 = arith.constant 16 : index
      %get3A_333 = tpu.vector_load %arg12[%get3A_331, %get3A_332] {strides = array<i32>} : memref<528x128xf32, #tpu.memory_space<vmem>>, vector<16xf32>,
      %mul3A_334 = arith.mulf %get3A_333, %get3A_55 : vector<16xf32>
      %get3A_335 = arith.index_cast %add3A_326 : i32 to index
      %get3A_336 = arith.constant 32 : index
      %get3A_337 = tpu.vector_load %arg12[%get3A_335, %get3A_336] {strides = array<i32>} : memref<528x128xf32, #tpu.memory_space<vmem>>, vector<16xf32>,
      %mul3A_338 = arith.mulf %get3A_337, %get3A_59 : vector<16xf32>
      %get3A_339 = arith.index_cast %add3A_326 : i32 to index
      %get3A_340 = arith.constant 48 : index
      %get3A_341 = tpu.vector_load %arg12[%get3A_339, %get3A_340] {strides = array<i32>} : memref<528x128xf32, #tpu.memory_space<vmem>>, vector<16xf32>,
      %mul3A_342 = arith.mulf %get3A_341, %get3A_63 : vector<16xf32>
      %get3A_343 = arith.index_cast %add3A_326 : i32 to index
      %get3A_344 = arith.constant 64 : index
      %get3A_345 = tpu.vector_load %arg12[%get3A_343, %get3A_344] {strides = array<i32>} : memref<528x128xf32, #tpu.memory_space<vmem>>, vector<16xf32>,
      %mul3A_346 = arith.mulf %get3A_345, %get3A_67 : vector<16xf32>
      %get3A_347 = arith.index_cast %add3A_326 : i32 to index
      %get3A_348 = arith.constant 80 : index
      %get3A_349 = tpu.vector_load %arg12[%get3A_347, %get3A_348] {strides = array<i32>} : memref<528x128xf32, #tpu.memory_space<vmem>>, vector<16xf32>,
      %mul3A_350 = arith.mulf %get3A_349, %get3A_71 : vector<16xf32>
      %get3A_351 = arith.index_cast %add3A_326 : i32 to index
      %get3A_352 = arith.constant 96 : index
      %get3A_353 = tpu.vector_load %arg12[%get3A_351, %get3A_352] {strides = array<i32>} : memref<528x128xf32, #tpu.memory_space<vmem>>, vector<16xf32>,
      %mul3A_354 = arith.mulf %get3A_353, %get3A_75 : vector<16xf32>
      %get3A_355 = arith.index_cast %add3A_326 : i32 to index
      %get3A_356 = arith.constant 112 : index
      %get3A_357 = tpu.vector_load %arg12[%get3A_355, %get3A_356] {strides = array<i32>} : memref<528x128xf32, #tpu.memory_space<vmem>>, vector<16xf32>,
      %mul3A_358 = arith.mulf %get3A_357, %get3A_79 : vector<16xf32>
      %add3A_359 = arith.addf %mul3A_330, %mul3A_334 : vector<16xf32>
      %add3A_360 = arith.addf %mul3A_338, %mul3A_342 : vector<16xf32>
      %add3A_361 = arith.addf %mul3A_346, %mul3A_350 : vector<16xf32>
      %add3A_362 = arith.addf %mul3A_354, %mul3A_358 : vector<16xf32>
      %add3A_363 = arith.addf %add3A_359, %add3A_360 : vector<16xf32>
      %add3A_364 = arith.addf %add3A_361, %add3A_362 : vector<16xf32>
      %add3A_365 = arith.addf %add3A_363, %add3A_364 : vector<16xf32>
      %reduce_sum3A_366 = arith.constant true
      %reduce_sum3A_367 = vector.broadcast %reduce_sum3A_366 : i1 to vector<16xi1>
      %reduce_sum3A_368 = tpu.scan <sum>, %add3A_365 masked %reduce_sum3A_367 : vector<16xf32>, vector<16xi1> -> vector<16xf32>
      %reduce_sum3A_369 = vector.extract %reduce_sum3A_368[15] : f32 from vector<16xf32>
      %eq3A_370 = arith.constant 4 : i32
      %eq3A_371 = vector.broadcast %eq3A_370 : i32 to vector<16xi32>
      %eq3A_372 = arith.cmpi eq, %iota3A, %eq3A_371 : vector<16xi32>
      %broadcast_in_dim3A_373 = vector.broadcast %reduce_sum3A_369 : f32 to vector<16xf32>
      %select_n3A_374 = arith.select %eq3A_372, %broadcast_in_dim3A_373, %select_n3A_324 : vector<16xi1>, vector<16xf32>
      %add3A_375 = arith.constant 5 : i32
      %add3A_376 = arith.addi %mul3A_125, %add3A_375 : i32
      %get3A_377 = arith.index_cast %add3A_376 : i32 to index
      %get3A_378 = arith.constant 0 : index
      %get3A_379 = tpu.vector_load %arg12[%get3A_377, %get3A_378] {strides = array<i32>} : memref<528x128xf32, #tpu.memory_space<vmem>>, vector<16xf32>,
      %mul3A_380 = arith.mulf %get3A_379, %get3A_51 : vector<16xf32>
      %get3A_381 = arith.index_cast %add3A_376 : i32 to index
      %get3A_382 = arith.constant 16 : index
      %get3A_383 = tpu.vector_load %arg12[%get3A_381, %get3A_382] {strides = array<i32>} : memref<528x128xf32, #tpu.memory_space<vmem>>, vector<16xf32>,
      %mul3A_384 = arith.mulf %get3A_383, %get3A_55 : vector<16xf32>
      %get3A_385 = arith.index_cast %add3A_376 : i32 to index
      %get3A_386 = arith.constant 32 : index
      %get3A_387 = tpu.vector_load %arg12[%get3A_385, %get3A_386] {strides = array<i32>} : memref<528x128xf32, #tpu.memory_space<vmem>>, vector<16xf32>,
      %mul3A_388 = arith.mulf %get3A_387, %get3A_59 : vector<16xf32>
      %get3A_389 = arith.index_cast %add3A_376 : i32 to index
      %get3A_390 = arith.constant 48 : index
      %get3A_391 = tpu.vector_load %arg12[%get3A_389, %get3A_390] {strides = array<i32>} : memref<528x128xf32, #tpu.memory_space<vmem>>, vector<16xf32>,
      %mul3A_392 = arith.mulf %get3A_391, %get3A_63 : vector<16xf32>
      %get3A_393 = arith.index_cast %add3A_376 : i32 to index
      %get3A_394 = arith.constant 64 : index
      %get3A_395 = tpu.vector_load %arg12[%get3A_393, %get3A_394] {strides = array<i32>} : memref<528x128xf32, #tpu.memory_space<vmem>>, vector<16xf32>,
      %mul3A_396 = arith.mulf %get3A_395, %get3A_67 : vector<16xf32>
      %get3A_397 = arith.index_cast %add3A_376 : i32 to index
      %get3A_398 = arith.constant 80 : index
      %get3A_399 = tpu.vector_load %arg12[%get3A_397, %get3A_398] {strides = array<i32>} : memref<528x128xf32, #tpu.memory_space<vmem>>, vector<16xf32>,
      %mul3A_400 = arith.mulf %get3A_399, %get3A_71 : vector<16xf32>
      %get3A_401 = arith.index_cast %add3A_376 : i32 to index
      %get3A_402 = arith.constant 96 : index
      %get3A_403 = tpu.vector_load %arg12[%get3A_401, %get3A_402] {strides = array<i32>} : memref<528x128xf32, #tpu.memory_space<vmem>>, vector<16xf32>,
      %mul3A_404 = arith.mulf %get3A_403, %get3A_75 : vector<16xf32>
      %get3A_405 = arith.index_cast %add3A_376 : i32 to index
      %get3A_406 = arith.constant 112 : index
      %get3A_407 = tpu.vector_load %arg12[%get3A_405, %get3A_406] {strides = array<i32>} : memref<528x128xf32, #tpu.memory_space<vmem>>, vector<16xf32>,
      %mul3A_408 = arith.mulf %get3A_407, %get3A_79 : vector<16xf32>
      %add3A_409 = arith.addf %mul3A_380, %mul3A_384 : vector<16xf32>
      %add3A_410 = arith.addf %mul3A_388, %mul3A_392 : vector<16xf32>
      %add3A_411 = arith.addf %mul3A_396, %mul3A_400 : vector<16xf32>
      %add3A_412 = arith.addf %mul3A_404, %mul3A_408 : vector<16xf32>
      %add3A_413 = arith.addf %add3A_409, %add3A_410 : vector<16xf32>
      %add3A_414 = arith.addf %add3A_411, %add3A_412 : vector<16xf32>
      %add3A_415 = arith.addf %add3A_413, %add3A_414 : vector<16xf32>
      %reduce_sum3A_416 = arith.constant true
      %reduce_sum3A_417 = vector.broadcast %reduce_sum3A_416 : i1 to vector<16xi1>
      %reduce_sum3A_418 = tpu.scan <sum>, %add3A_415 masked %reduce_sum3A_417 : vector<16xf32>, vector<16xi1> -> vector<16xf32>
      %reduce_sum3A_419 = vector.extract %reduce_sum3A_418[15] : f32 from vector<16xf32>
      %eq3A_420 = arith.constant 5 : i32
      %eq3A_421 = vector.broadcast %eq3A_420 : i32 to vector<16xi32>
      %eq3A_422 = arith.cmpi eq, %iota3A, %eq3A_421 : vector<16xi32>
      %broadcast_in_dim3A_423 = vector.broadcast %reduce_sum3A_419 : f32 to vector<16xf32>
      %select_n3A_424 = arith.select %eq3A_422, %broadcast_in_dim3A_423, %select_n3A_374 : vector<16xi1>, vector<16xf32>
      %add3A_425 = arith.constant 6 : i32
      %add3A_426 = arith.addi %mul3A_125, %add3A_425 : i32
      %get3A_427 = arith.index_cast %add3A_426 : i32 to index
      %get3A_428 = arith.constant 0 : index
      %get3A_429 = tpu.vector_load %arg12[%get3A_427, %get3A_428] {strides = array<i32>} : memref<528x128xf32, #tpu.memory_space<vmem>>, vector<16xf32>,
      %mul3A_430 = arith.mulf %get3A_429, %get3A_51 : vector<16xf32>
      %get3A_431 = arith.index_cast %add3A_426 : i32 to index
      %get3A_432 = arith.constant 16 : index
      %get3A_433 = tpu.vector_load %arg12[%get3A_431, %get3A_432] {strides = array<i32>} : memref<528x128xf32, #tpu.memory_space<vmem>>, vector<16xf32>,
      %mul3A_434 = arith.mulf %get3A_433, %get3A_55 : vector<16xf32>
      %get3A_435 = arith.index_cast %add3A_426 : i32 to index
      %get3A_436 = arith.constant 32 : index
      %get3A_437 = tpu.vector_load %arg12[%get3A_435, %get3A_436] {strides = array<i32>} : memref<528x128xf32, #tpu.memory_space<vmem>>, vector<16xf32>,
      %mul3A_438 = arith.mulf %get3A_437, %get3A_59 : vector<16xf32>
      %get3A_439 = arith.index_cast %add3A_426 : i32 to index
      %get3A_440 = arith.constant 48 : index
      %get3A_441 = tpu.vector_load %arg12[%get3A_439, %get3A_440] {strides = array<i32>} : memref<528x128xf32, #tpu.memory_space<vmem>>, vector<16xf32>,
      %mul3A_442 = arith.mulf %get3A_441, %get3A_63 : vector<16xf32>
      %get3A_443 = arith.index_cast %add3A_426 : i32 to index
      %get3A_444 = arith.constant 64 : index
      %get3A_445 = tpu.vector_load %arg12[%get3A_443, %get3A_444] {strides = array<i32>} : memref<528x128xf32, #tpu.memory_space<vmem>>, vector<16xf32>,
      %mul3A_446 = arith.mulf %get3A_445, %get3A_67 : vector<16xf32>
      %get3A_447 = arith.index_cast %add3A_426 : i32 to index
      %get3A_448 = arith.constant 80 : index
      %get3A_449 = tpu.vector_load %arg12[%get3A_447, %get3A_448] {strides = array<i32>} : memref<528x128xf32, #tpu.memory_space<vmem>>, vector<16xf32>,
      %mul3A_450 = arith.mulf %get3A_449, %get3A_71 : vector<16xf32>
      %get3A_451 = arith.index_cast %add3A_426 : i32 to index
      %get3A_452 = arith.constant 96 : index
      %get3A_453 = tpu.vector_load %arg12[%get3A_451, %get3A_452] {strides = array<i32>} : memref<528x128xf32, #tpu.memory_space<vmem>>, vector<16xf32>,
      %mul3A_454 = arith.mulf %get3A_453, %get3A_75 : vector<16xf32>
      %get3A_455 = arith.index_cast %add3A_426 : i32 to index
      %get3A_456 = arith.constant 112 : index
      %get3A_457 = tpu.vector_load %arg12[%get3A_455, %get3A_456] {strides = array<i32>} : memref<528x128xf32, #tpu.memory_space<vmem>>, vector<16xf32>,
      %mul3A_458 = arith.mulf %get3A_457, %get3A_79 : vector<16xf32>
      %add3A_459 = arith.addf %mul3A_430, %mul3A_434 : vector<16xf32>
      %add3A_460 = arith.addf %mul3A_438, %mul3A_442 : vector<16xf32>
      %add3A_461 = arith.addf %mul3A_446, %mul3A_450 : vector<16xf32>
      %add3A_462 = arith.addf %mul3A_454, %mul3A_458 : vector<16xf32>
      %add3A_463 = arith.addf %add3A_459, %add3A_460 : vector<16xf32>
      %add3A_464 = arith.addf %add3A_461, %add3A_462 : vector<16xf32>
      %add3A_465 = arith.addf %add3A_463, %add3A_464 : vector<16xf32>
      %reduce_sum3A_466 = arith.constant true
      %reduce_sum3A_467 = vector.broadcast %reduce_sum3A_466 : i1 to vector<16xi1>
      %reduce_sum3A_468 = tpu.scan <sum>, %add3A_465 masked %reduce_sum3A_467 : vector<16xf32>, vector<16xi1> -> vector<16xf32>
      %reduce_sum3A_469 = vector.extract %reduce_sum3A_468[15] : f32 from vector<16xf32>
      %eq3A_470 = arith.constant 6 : i32
      %eq3A_471 = vector.broadcast %eq3A_470 : i32 to vector<16xi32>
      %eq3A_472 = arith.cmpi eq, %iota3A, %eq3A_471 : vector<16xi32>
      %broadcast_in_dim3A_473 = vector.broadcast %reduce_sum3A_469 : f32 to vector<16xf32>
      %select_n3A_474 = arith.select %eq3A_472, %broadcast_in_dim3A_473, %select_n3A_424 : vector<16xi1>, vector<16xf32>
      %add3A_475 = arith.constant 7 : i32
      %add3A_476 = arith.addi %mul3A_125, %add3A_475 : i32
      %get3A_477 = arith.index_cast %add3A_476 : i32 to index
      %get3A_478 = arith.constant 0 : index
      %get3A_479 = tpu.vector_load %arg12[%get3A_477, %get3A_478] {strides = array<i32>} : memref<528x128xf32, #tpu.memory_space<vmem>>, vector<16xf32>,
      %mul3A_480 = arith.mulf %get3A_479, %get3A_51 : vector<16xf32>
      %get3A_481 = arith.index_cast %add3A_476 : i32 to index
      %get3A_482 = arith.constant 16 : index
      %get3A_483 = tpu.vector_load %arg12[%get3A_481, %get3A_482] {strides = array<i32>} : memref<528x128xf32, #tpu.memory_space<vmem>>, vector<16xf32>,
      %mul3A_484 = arith.mulf %get3A_483, %get3A_55 : vector<16xf32>
      %get3A_485 = arith.index_cast %add3A_476 : i32 to index
      %get3A_486 = arith.constant 32 : index
      %get3A_487 = tpu.vector_load %arg12[%get3A_485, %get3A_486] {strides = array<i32>} : memref<528x128xf32, #tpu.memory_space<vmem>>, vector<16xf32>,
      %mul3A_488 = arith.mulf %get3A_487, %get3A_59 : vector<16xf32>
      %get3A_489 = arith.index_cast %add3A_476 : i32 to index
      %get3A_490 = arith.constant 48 : index
      %get3A_491 = tpu.vector_load %arg12[%get3A_489, %get3A_490] {strides = array<i32>} : memref<528x128xf32, #tpu.memory_space<vmem>>, vector<16xf32>,
      %mul3A_492 = arith.mulf %get3A_491, %get3A_63 : vector<16xf32>
      %get3A_493 = arith.index_cast %add3A_476 : i32 to index
      %get3A_494 = arith.constant 64 : index
      %get3A_495 = tpu.vector_load %arg12[%get3A_493, %get3A_494] {strides = array<i32>} : memref<528x128xf32, #tpu.memory_space<vmem>>, vector<16xf32>,
      %mul3A_496 = arith.mulf %get3A_495, %get3A_67 : vector<16xf32>
      %get3A_497 = arith.index_cast %add3A_476 : i32 to index
      %get3A_498 = arith.constant 80 : index
      %get3A_499 = tpu.vector_load %arg12[%get3A_497, %get3A_498] {strides = array<i32>} : memref<528x128xf32, #tpu.memory_space<vmem>>, vector<16xf32>,
      %mul3A_500 = arith.mulf %get3A_499, %get3A_71 : vector<16xf32>
      %get3A_501 = arith.index_cast %add3A_476 : i32 to index
      %get3A_502 = arith.constant 96 : index
      %get3A_503 = tpu.vector_load %arg12[%get3A_501, %get3A_502] {strides = array<i32>} : memref<528x128xf32, #tpu.memory_space<vmem>>, vector<16xf32>,
      %mul3A_504 = arith.mulf %get3A_503, %get3A_75 : vector<16xf32>
      %get3A_505 = arith.index_cast %add3A_476 : i32 to index
      %get3A_506 = arith.constant 112 : index
      %get3A_507 = tpu.vector_load %arg12[%get3A_505, %get3A_506] {strides = array<i32>} : memref<528x128xf32, #tpu.memory_space<vmem>>, vector<16xf32>,
      %mul3A_508 = arith.mulf %get3A_507, %get3A_79 : vector<16xf32>
      %add3A_509 = arith.addf %mul3A_480, %mul3A_484 : vector<16xf32>
      %add3A_510 = arith.addf %mul3A_488, %mul3A_492 : vector<16xf32>
      %add3A_511 = arith.addf %mul3A_496, %mul3A_500 : vector<16xf32>
      %add3A_512 = arith.addf %mul3A_504, %mul3A_508 : vector<16xf32>
      %add3A_513 = arith.addf %add3A_509, %add3A_510 : vector<16xf32>
      %add3A_514 = arith.addf %add3A_511, %add3A_512 : vector<16xf32>
      %add3A_515 = arith.addf %add3A_513, %add3A_514 : vector<16xf32>
      %reduce_sum3A_516 = arith.constant true
      %reduce_sum3A_517 = vector.broadcast %reduce_sum3A_516 : i1 to vector<16xi1>
      %reduce_sum3A_518 = tpu.scan <sum>, %add3A_515 masked %reduce_sum3A_517 : vector<16xf32>, vector<16xi1> -> vector<16xf32>
      %reduce_sum3A_519 = vector.extract %reduce_sum3A_518[15] : f32 from vector<16xf32>
      %eq3A_520 = arith.constant 7 : i32
      %eq3A_521 = vector.broadcast %eq3A_520 : i32 to vector<16xi32>
      %eq3A_522 = arith.cmpi eq, %iota3A, %eq3A_521 : vector<16xi32>
      %broadcast_in_dim3A_523 = vector.broadcast %reduce_sum3A_519 : f32 to vector<16xf32>
      %select_n3A_524 = arith.select %eq3A_522, %broadcast_in_dim3A_523, %select_n3A_474 : vector<16xi1>, vector<16xf32>
      %add3A_525 = arith.constant 8 : i32
      %add3A_526 = arith.addi %mul3A_125, %add3A_525 : i32
      %get3A_527 = arith.index_cast %add3A_526 : i32 to index
      %get3A_528 = arith.constant 0 : index
      %get3A_529 = tpu.vector_load %arg12[%get3A_527, %get3A_528] {strides = array<i32>} : memref<528x128xf32, #tpu.memory_space<vmem>>, vector<16xf32>,
      %mul3A_530 = arith.mulf %get3A_529, %get3A_51 : vector<16xf32>
      %get3A_531 = arith.index_cast %add3A_526 : i32 to index
      %get3A_532 = arith.constant 16 : index
      %get3A_533 = tpu.vector_load %arg12[%get3A_531, %get3A_532] {strides = array<i32>} : memref<528x128xf32, #tpu.memory_space<vmem>>, vector<16xf32>,
      %mul3A_534 = arith.mulf %get3A_533, %get3A_55 : vector<16xf32>
      %get3A_535 = arith.index_cast %add3A_526 : i32 to index
      %get3A_536 = arith.constant 32 : index
      %get3A_537 = tpu.vector_load %arg12[%get3A_535, %get3A_536] {strides = array<i32>} : memref<528x128xf32, #tpu.memory_space<vmem>>, vector<16xf32>,
      %mul3A_538 = arith.mulf %get3A_537, %get3A_59 : vector<16xf32>
      %get3A_539 = arith.index_cast %add3A_526 : i32 to index
      %get3A_540 = arith.constant 48 : index
      %get3A_541 = tpu.vector_load %arg12[%get3A_539, %get3A_540] {strides = array<i32>} : memref<528x128xf32, #tpu.memory_space<vmem>>, vector<16xf32>,
      %mul3A_542 = arith.mulf %get3A_541, %get3A_63 : vector<16xf32>
      %get3A_543 = arith.index_cast %add3A_526 : i32 to index
      %get3A_544 = arith.constant 64 : index
      %get3A_545 = tpu.vector_load %arg12[%get3A_543, %get3A_544] {strides = array<i32>} : memref<528x128xf32, #tpu.memory_space<vmem>>, vector<16xf32>,
      %mul3A_546 = arith.mulf %get3A_545, %get3A_67 : vector<16xf32>
      %get3A_547 = arith.index_cast %add3A_526 : i32 to index
      %get3A_548 = arith.constant 80 : index
      %get3A_549 = tpu.vector_load %arg12[%get3A_547, %get3A_548] {strides = array<i32>} : memref<528x128xf32, #tpu.memory_space<vmem>>, vector<16xf32>,
      %mul3A_550 = arith.mulf %get3A_549, %get3A_71 : vector<16xf32>
      %get3A_551 = arith.index_cast %add3A_526 : i32 to index
      %get3A_552 = arith.constant 96 : index
      %get3A_553 = tpu.vector_load %arg12[%get3A_551, %get3A_552] {strides = array<i32>} : memref<528x128xf32, #tpu.memory_space<vmem>>, vector<16xf32>,
      %mul3A_554 = arith.mulf %get3A_553, %get3A_75 : vector<16xf32>
      %get3A_555 = arith.index_cast %add3A_526 : i32 to index
      %get3A_556 = arith.constant 112 : index
      %get3A_557 = tpu.vector_load %arg12[%get3A_555, %get3A_556] {strides = array<i32>} : memref<528x128xf32, #tpu.memory_space<vmem>>, vector<16xf32>,
      %mul3A_558 = arith.mulf %get3A_557, %get3A_79 : vector<16xf32>
      %add3A_559 = arith.addf %mul3A_530, %mul3A_534 : vector<16xf32>
      %add3A_560 = arith.addf %mul3A_538, %mul3A_542 : vector<16xf32>
      %add3A_561 = arith.addf %mul3A_546, %mul3A_550 : vector<16xf32>
      %add3A_562 = arith.addf %mul3A_554, %mul3A_558 : vector<16xf32>
      %add3A_563 = arith.addf %add3A_559, %add3A_560 : vector<16xf32>
      %add3A_564 = arith.addf %add3A_561, %add3A_562 : vector<16xf32>
      %add3A_565 = arith.addf %add3A_563, %add3A_564 : vector<16xf32>
      %reduce_sum3A_566 = arith.constant true
      %reduce_sum3A_567 = vector.broadcast %reduce_sum3A_566 : i1 to vector<16xi1>
      %reduce_sum3A_568 = tpu.scan <sum>, %add3A_565 masked %reduce_sum3A_567 : vector<16xf32>, vector<16xi1> -> vector<16xf32>
      %reduce_sum3A_569 = vector.extract %reduce_sum3A_568[15] : f32 from vector<16xf32>
      %eq3A_570 = arith.constant 8 : i32
      %eq3A_571 = vector.broadcast %eq3A_570 : i32 to vector<16xi32>
      %eq3A_572 = arith.cmpi eq, %iota3A, %eq3A_571 : vector<16xi32>
      %broadcast_in_dim3A_573 = vector.broadcast %reduce_sum3A_569 : f32 to vector<16xf32>
      %select_n3A_574 = arith.select %eq3A_572, %broadcast_in_dim3A_573, %select_n3A_524 : vector<16xi1>, vector<16xf32>
      %add3A_575 = arith.constant 9 : i32
      %add3A_576 = arith.addi %mul3A_125, %add3A_575 : i32
      %get3A_577 = arith.index_cast %add3A_576 : i32 to index
      %get3A_578 = arith.constant 0 : index
      %get3A_579 = tpu.vector_load %arg12[%get3A_577, %get3A_578] {strides = array<i32>} : memref<528x128xf32, #tpu.memory_space<vmem>>, vector<16xf32>,
      %mul3A_580 = arith.mulf %get3A_579, %get3A_51 : vector<16xf32>
      %get3A_581 = arith.index_cast %add3A_576 : i32 to index
      %get3A_582 = arith.constant 16 : index
      %get3A_583 = tpu.vector_load %arg12[%get3A_581, %get3A_582] {strides = array<i32>} : memref<528x128xf32, #tpu.memory_space<vmem>>, vector<16xf32>,
      %mul3A_584 = arith.mulf %get3A_583, %get3A_55 : vector<16xf32>
      %get3A_585 = arith.index_cast %add3A_576 : i32 to index
      %get3A_586 = arith.constant 32 : index
      %get3A_587 = tpu.vector_load %arg12[%get3A_585, %get3A_586] {strides = array<i32>} : memref<528x128xf32, #tpu.memory_space<vmem>>, vector<16xf32>,
      %mul3A_588 = arith.mulf %get3A_587, %get3A_59 : vector<16xf32>
      %get3A_589 = arith.index_cast %add3A_576 : i32 to index
      %get3A_590 = arith.constant 48 : index
      %get3A_591 = tpu.vector_load %arg12[%get3A_589, %get3A_590] {strides = array<i32>} : memref<528x128xf32, #tpu.memory_space<vmem>>, vector<16xf32>,
      %mul3A_592 = arith.mulf %get3A_591, %get3A_63 : vector<16xf32>
      %get3A_593 = arith.index_cast %add3A_576 : i32 to index
      %get3A_594 = arith.constant 64 : index
      %get3A_595 = tpu.vector_load %arg12[%get3A_593, %get3A_594] {strides = array<i32>} : memref<528x128xf32, #tpu.memory_space<vmem>>, vector<16xf32>,
      %mul3A_596 = arith.mulf %get3A_595, %get3A_67 : vector<16xf32>
      %get3A_597 = arith.index_cast %add3A_576 : i32 to index
      %get3A_598 = arith.constant 80 : index
      %get3A_599 = tpu.vector_load %arg12[%get3A_597, %get3A_598] {strides = array<i32>} : memref<528x128xf32, #tpu.memory_space<vmem>>, vector<16xf32>,
      %mul3A_600 = arith.mulf %get3A_599, %get3A_71 : vector<16xf32>
      %get3A_601 = arith.index_cast %add3A_576 : i32 to index
      %get3A_602 = arith.constant 96 : index
      %get3A_603 = tpu.vector_load %arg12[%get3A_601, %get3A_602] {strides = array<i32>} : memref<528x128xf32, #tpu.memory_space<vmem>>, vector<16xf32>,
      %mul3A_604 = arith.mulf %get3A_603, %get3A_75 : vector<16xf32>
      %get3A_605 = arith.index_cast %add3A_576 : i32 to index
      %get3A_606 = arith.constant 112 : index
      %get3A_607 = tpu.vector_load %arg12[%get3A_605, %get3A_606] {strides = array<i32>} : memref<528x128xf32, #tpu.memory_space<vmem>>, vector<16xf32>,
      %mul3A_608 = arith.mulf %get3A_607, %get3A_79 : vector<16xf32>
      %add3A_609 = arith.addf %mul3A_580, %mul3A_584 : vector<16xf32>
      %add3A_610 = arith.addf %mul3A_588, %mul3A_592 : vector<16xf32>
      %add3A_611 = arith.addf %mul3A_596, %mul3A_600 : vector<16xf32>
      %add3A_612 = arith.addf %mul3A_604, %mul3A_608 : vector<16xf32>
      %add3A_613 = arith.addf %add3A_609, %add3A_610 : vector<16xf32>
      %add3A_614 = arith.addf %add3A_611, %add3A_612 : vector<16xf32>
      %add3A_615 = arith.addf %add3A_613, %add3A_614 : vector<16xf32>
      %reduce_sum3A_616 = arith.constant true
      %reduce_sum3A_617 = vector.broadcast %reduce_sum3A_616 : i1 to vector<16xi1>
      %reduce_sum3A_618 = tpu.scan <sum>, %add3A_615 masked %reduce_sum3A_617 : vector<16xf32>, vector<16xi1> -> vector<16xf32>
      %reduce_sum3A_619 = vector.extract %reduce_sum3A_618[15] : f32 from vector<16xf32>
      %eq3A_620 = arith.constant 9 : i32
      %eq3A_621 = vector.broadcast %eq3A_620 : i32 to vector<16xi32>
      %eq3A_622 = arith.cmpi eq, %iota3A, %eq3A_621 : vector<16xi32>
      %broadcast_in_dim3A_623 = vector.broadcast %reduce_sum3A_619 : f32 to vector<16xf32>
      %select_n3A_624 = arith.select %eq3A_622, %broadcast_in_dim3A_623, %select_n3A_574 : vector<16xi1>, vector<16xf32>
      %add3A_625 = arith.constant 10 : i32
      %add3A_626 = arith.addi %mul3A_125, %add3A_625 : i32
      %get3A_627 = arith.index_cast %add3A_626 : i32 to index
      %get3A_628 = arith.constant 0 : index
      %get3A_629 = tpu.vector_load %arg12[%get3A_627, %get3A_628] {strides = array<i32>} : memref<528x128xf32, #tpu.memory_space<vmem>>, vector<16xf32>,
      %mul3A_630 = arith.mulf %get3A_629, %get3A_51 : vector<16xf32>
      %get3A_631 = arith.index_cast %add3A_626 : i32 to index
      %get3A_632 = arith.constant 16 : index
      %get3A_633 = tpu.vector_load %arg12[%get3A_631, %get3A_632] {strides = array<i32>} : memref<528x128xf32, #tpu.memory_space<vmem>>, vector<16xf32>,
      %mul3A_634 = arith.mulf %get3A_633, %get3A_55 : vector<16xf32>
      %get3A_635 = arith.index_cast %add3A_626 : i32 to index
      %get3A_636 = arith.constant 32 : index
      %get3A_637 = tpu.vector_load %arg12[%get3A_635, %get3A_636] {strides = array<i32>} : memref<528x128xf32, #tpu.memory_space<vmem>>, vector<16xf32>,
      %mul3A_638 = arith.mulf %get3A_637, %get3A_59 : vector<16xf32>
      %get3A_639 = arith.index_cast %add3A_626 : i32 to index
      %get3A_640 = arith.constant 48 : index
      %get3A_641 = tpu.vector_load %arg12[%get3A_639, %get3A_640] {strides = array<i32>} : memref<528x128xf32, #tpu.memory_space<vmem>>, vector<16xf32>,
      %mul3A_642 = arith.mulf %get3A_641, %get3A_63 : vector<16xf32>
      %get3A_643 = arith.index_cast %add3A_626 : i32 to index
      %get3A_644 = arith.constant 64 : index
      %get3A_645 = tpu.vector_load %arg12[%get3A_643, %get3A_644] {strides = array<i32>} : memref<528x128xf32, #tpu.memory_space<vmem>>, vector<16xf32>,
      %mul3A_646 = arith.mulf %get3A_645, %get3A_67 : vector<16xf32>
      %get3A_647 = arith.index_cast %add3A_626 : i32 to index
      %get3A_648 = arith.constant 80 : index
      %get3A_649 = tpu.vector_load %arg12[%get3A_647, %get3A_648] {strides = array<i32>} : memref<528x128xf32, #tpu.memory_space<vmem>>, vector<16xf32>,
      %mul3A_650 = arith.mulf %get3A_649, %get3A_71 : vector<16xf32>
      %get3A_651 = arith.index_cast %add3A_626 : i32 to index
      %get3A_652 = arith.constant 96 : index
      %get3A_653 = tpu.vector_load %arg12[%get3A_651, %get3A_652] {strides = array<i32>} : memref<528x128xf32, #tpu.memory_space<vmem>>, vector<16xf32>,
      %mul3A_654 = arith.mulf %get3A_653, %get3A_75 : vector<16xf32>
      %get3A_655 = arith.index_cast %add3A_626 : i32 to index
      %get3A_656 = arith.constant 112 : index
      %get3A_657 = tpu.vector_load %arg12[%get3A_655, %get3A_656] {strides = array<i32>} : memref<528x128xf32, #tpu.memory_space<vmem>>, vector<16xf32>,
      %mul3A_658 = arith.mulf %get3A_657, %get3A_79 : vector<16xf32>
      %add3A_659 = arith.addf %mul3A_630, %mul3A_634 : vector<16xf32>
      %add3A_660 = arith.addf %mul3A_638, %mul3A_642 : vector<16xf32>
      %add3A_661 = arith.addf %mul3A_646, %mul3A_650 : vector<16xf32>
      %add3A_662 = arith.addf %mul3A_654, %mul3A_658 : vector<16xf32>
      %add3A_663 = arith.addf %add3A_659, %add3A_660 : vector<16xf32>
      %add3A_664 = arith.addf %add3A_661, %add3A_662 : vector<16xf32>
      %add3A_665 = arith.addf %add3A_663, %add3A_664 : vector<16xf32>
      %reduce_sum3A_666 = arith.constant true
      %reduce_sum3A_667 = vector.broadcast %reduce_sum3A_666 : i1 to vector<16xi1>
      %reduce_sum3A_668 = tpu.scan <sum>, %add3A_665 masked %reduce_sum3A_667 : vector<16xf32>, vector<16xi1> -> vector<16xf32>
      %reduce_sum3A_669 = vector.extract %reduce_sum3A_668[15] : f32 from vector<16xf32>
      %eq3A_670 = arith.constant 10 : i32
      %eq3A_671 = vector.broadcast %eq3A_670 : i32 to vector<16xi32>
      %eq3A_672 = arith.cmpi eq, %iota3A, %eq3A_671 : vector<16xi32>
      %broadcast_in_dim3A_673 = vector.broadcast %reduce_sum3A_669 : f32 to vector<16xf32>
      %select_n3A_674 = arith.select %eq3A_672, %broadcast_in_dim3A_673, %select_n3A_624 : vector<16xi1>, vector<16xf32>
      %add3A_675 = arith.constant 11 : i32
      %add3A_676 = arith.addi %mul3A_125, %add3A_675 : i32
      %get3A_677 = arith.index_cast %add3A_676 : i32 to index
      %get3A_678 = arith.constant 0 : index
      %get3A_679 = tpu.vector_load %arg12[%get3A_677, %get3A_678] {strides = array<i32>} : memref<528x128xf32, #tpu.memory_space<vmem>>, vector<16xf32>,
      %mul3A_680 = arith.mulf %get3A_679, %get3A_51 : vector<16xf32>
      %get3A_681 = arith.index_cast %add3A_676 : i32 to index
      %get3A_682 = arith.constant 16 : index
      %get3A_683 = tpu.vector_load %arg12[%get3A_681, %get3A_682] {strides = array<i32>} : memref<528x128xf32, #tpu.memory_space<vmem>>, vector<16xf32>,
      %mul3A_684 = arith.mulf %get3A_683, %get3A_55 : vector<16xf32>
      %get3A_685 = arith.index_cast %add3A_676 : i32 to index
      %get3A_686 = arith.constant 32 : index
      %get3A_687 = tpu.vector_load %arg12[%get3A_685, %get3A_686] {strides = array<i32>} : memref<528x128xf32, #tpu.memory_space<vmem>>, vector<16xf32>,
      %mul3A_688 = arith.mulf %get3A_687, %get3A_59 : vector<16xf32>
      %get3A_689 = arith.index_cast %add3A_676 : i32 to index
      %get3A_690 = arith.constant 48 : index
      %get3A_691 = tpu.vector_load %arg12[%get3A_689, %get3A_690] {strides = array<i32>} : memref<528x128xf32, #tpu.memory_space<vmem>>, vector<16xf32>,
      %mul3A_692 = arith.mulf %get3A_691, %get3A_63 : vector<16xf32>
      %get3A_693 = arith.index_cast %add3A_676 : i32 to index
      %get3A_694 = arith.constant 64 : index
      %get3A_695 = tpu.vector_load %arg12[%get3A_693, %get3A_694] {strides = array<i32>} : memref<528x128xf32, #tpu.memory_space<vmem>>, vector<16xf32>,
      %mul3A_696 = arith.mulf %get3A_695, %get3A_67 : vector<16xf32>
      %get3A_697 = arith.index_cast %add3A_676 : i32 to index
      %get3A_698 = arith.constant 80 : index
      %get3A_699 = tpu.vector_load %arg12[%get3A_697, %get3A_698] {strides = array<i32>} : memref<528x128xf32, #tpu.memory_space<vmem>>, vector<16xf32>,
      %mul3A_700 = arith.mulf %get3A_699, %get3A_71 : vector<16xf32>
      %get3A_701 = arith.index_cast %add3A_676 : i32 to index
      %get3A_702 = arith.constant 96 : index
      %get3A_703 = tpu.vector_load %arg12[%get3A_701, %get3A_702] {strides = array<i32>} : memref<528x128xf32, #tpu.memory_space<vmem>>, vector<16xf32>,
      %mul3A_704 = arith.mulf %get3A_703, %get3A_75 : vector<16xf32>
      %get3A_705 = arith.index_cast %add3A_676 : i32 to index
      %get3A_706 = arith.constant 112 : index
      %get3A_707 = tpu.vector_load %arg12[%get3A_705, %get3A_706] {strides = array<i32>} : memref<528x128xf32, #tpu.memory_space<vmem>>, vector<16xf32>,
      %mul3A_708 = arith.mulf %get3A_707, %get3A_79 : vector<16xf32>
      %add3A_709 = arith.addf %mul3A_680, %mul3A_684 : vector<16xf32>
      %add3A_710 = arith.addf %mul3A_688, %mul3A_692 : vector<16xf32>
      %add3A_711 = arith.addf %mul3A_696, %mul3A_700 : vector<16xf32>
      %add3A_712 = arith.addf %mul3A_704, %mul3A_708 : vector<16xf32>
      %add3A_713 = arith.addf %add3A_709, %add3A_710 : vector<16xf32>
      %add3A_714 = arith.addf %add3A_711, %add3A_712 : vector<16xf32>
      %add3A_715 = arith.addf %add3A_713, %add3A_714 : vector<16xf32>
      %reduce_sum3A_716 = arith.constant true
      %reduce_sum3A_717 = vector.broadcast %reduce_sum3A_716 : i1 to vector<16xi1>
      %reduce_sum3A_718 = tpu.scan <sum>, %add3A_715 masked %reduce_sum3A_717 : vector<16xf32>, vector<16xi1> -> vector<16xf32>
      %reduce_sum3A_719 = vector.extract %reduce_sum3A_718[15] : f32 from vector<16xf32>
      %eq3A_720 = arith.constant 11 : i32
      %eq3A_721 = vector.broadcast %eq3A_720 : i32 to vector<16xi32>
      %eq3A_722 = arith.cmpi eq, %iota3A, %eq3A_721 : vector<16xi32>
      %broadcast_in_dim3A_723 = vector.broadcast %reduce_sum3A_719 : f32 to vector<16xf32>
      %select_n3A_724 = arith.select %eq3A_722, %broadcast_in_dim3A_723, %select_n3A_674 : vector<16xi1>, vector<16xf32>
      %add3A_725 = arith.constant 12 : i32
      %add3A_726 = arith.addi %mul3A_125, %add3A_725 : i32
      %get3A_727 = arith.index_cast %add3A_726 : i32 to index
      %get3A_728 = arith.constant 0 : index
      %get3A_729 = tpu.vector_load %arg12[%get3A_727, %get3A_728] {strides = array<i32>} : memref<528x128xf32, #tpu.memory_space<vmem>>, vector<16xf32>,
      %mul3A_730 = arith.mulf %get3A_729, %get3A_51 : vector<16xf32>
      %get3A_731 = arith.index_cast %add3A_726 : i32 to index
      %get3A_732 = arith.constant 16 : index
      %get3A_733 = tpu.vector_load %arg12[%get3A_731, %get3A_732] {strides = array<i32>} : memref<528x128xf32, #tpu.memory_space<vmem>>, vector<16xf32>,
      %mul3A_734 = arith.mulf %get3A_733, %get3A_55 : vector<16xf32>
      %get3A_735 = arith.index_cast %add3A_726 : i32 to index
      %get3A_736 = arith.constant 32 : index
      %get3A_737 = tpu.vector_load %arg12[%get3A_735, %get3A_736] {strides = array<i32>} : memref<528x128xf32, #tpu.memory_space<vmem>>, vector<16xf32>,
      %mul3A_738 = arith.mulf %get3A_737, %get3A_59 : vector<16xf32>
      %get3A_739 = arith.index_cast %add3A_726 : i32 to index
      %get3A_740 = arith.constant 48 : index
      %get3A_741 = tpu.vector_load %arg12[%get3A_739, %get3A_740] {strides = array<i32>} : memref<528x128xf32, #tpu.memory_space<vmem>>, vector<16xf32>,
      %mul3A_742 = arith.mulf %get3A_741, %get3A_63 : vector<16xf32>
      %get3A_743 = arith.index_cast %add3A_726 : i32 to index
      %get3A_744 = arith.constant 64 : index
      %get3A_745 = tpu.vector_load %arg12[%get3A_743, %get3A_744] {strides = array<i32>} : memref<528x128xf32, #tpu.memory_space<vmem>>, vector<16xf32>,
      %mul3A_746 = arith.mulf %get3A_745, %get3A_67 : vector<16xf32>
      %get3A_747 = arith.index_cast %add3A_726 : i32 to index
      %get3A_748 = arith.constant 80 : index
      %get3A_749 = tpu.vector_load %arg12[%get3A_747, %get3A_748] {strides = array<i32>} : memref<528x128xf32, #tpu.memory_space<vmem>>, vector<16xf32>,
      %mul3A_750 = arith.mulf %get3A_749, %get3A_71 : vector<16xf32>
      %get3A_751 = arith.index_cast %add3A_726 : i32 to index
      %get3A_752 = arith.constant 96 : index
      %get3A_753 = tpu.vector_load %arg12[%get3A_751, %get3A_752] {strides = array<i32>} : memref<528x128xf32, #tpu.memory_space<vmem>>, vector<16xf32>,
      %mul3A_754 = arith.mulf %get3A_753, %get3A_75 : vector<16xf32>
      %get3A_755 = arith.index_cast %add3A_726 : i32 to index
      %get3A_756 = arith.constant 112 : index
      %get3A_757 = tpu.vector_load %arg12[%get3A_755, %get3A_756] {strides = array<i32>} : memref<528x128xf32, #tpu.memory_space<vmem>>, vector<16xf32>,
      %mul3A_758 = arith.mulf %get3A_757, %get3A_79 : vector<16xf32>
      %add3A_759 = arith.addf %mul3A_730, %mul3A_734 : vector<16xf32>
      %add3A_760 = arith.addf %mul3A_738, %mul3A_742 : vector<16xf32>
      %add3A_761 = arith.addf %mul3A_746, %mul3A_750 : vector<16xf32>
      %add3A_762 = arith.addf %mul3A_754, %mul3A_758 : vector<16xf32>
      %add3A_763 = arith.addf %add3A_759, %add3A_760 : vector<16xf32>
      %add3A_764 = arith.addf %add3A_761, %add3A_762 : vector<16xf32>
      %add3A_765 = arith.addf %add3A_763, %add3A_764 : vector<16xf32>
      %reduce_sum3A_766 = arith.constant true
      %reduce_sum3A_767 = vector.broadcast %reduce_sum3A_766 : i1 to vector<16xi1>
      %reduce_sum3A_768 = tpu.scan <sum>, %add3A_765 masked %reduce_sum3A_767 : vector<16xf32>, vector<16xi1> -> vector<16xf32>
      %reduce_sum3A_769 = vector.extract %reduce_sum3A_768[15] : f32 from vector<16xf32>
      %eq3A_770 = arith.constant 12 : i32
      %eq3A_771 = vector.broadcast %eq3A_770 : i32 to vector<16xi32>
      %eq3A_772 = arith.cmpi eq, %iota3A, %eq3A_771 : vector<16xi32>
      %broadcast_in_dim3A_773 = vector.broadcast %reduce_sum3A_769 : f32 to vector<16xf32>
      %select_n3A_774 = arith.select %eq3A_772, %broadcast_in_dim3A_773, %select_n3A_724 : vector<16xi1>, vector<16xf32>
      %add3A_775 = arith.constant 13 : i32
      %add3A_776 = arith.addi %mul3A_125, %add3A_775 : i32
      %get3A_777 = arith.index_cast %add3A_776 : i32 to index
      %get3A_778 = arith.constant 0 : index
      %get3A_779 = tpu.vector_load %arg12[%get3A_777, %get3A_778] {strides = array<i32>} : memref<528x128xf32, #tpu.memory_space<vmem>>, vector<16xf32>,
      %mul3A_780 = arith.mulf %get3A_779, %get3A_51 : vector<16xf32>
      %get3A_781 = arith.index_cast %add3A_776 : i32 to index
      %get3A_782 = arith.constant 16 : index
      %get3A_783 = tpu.vector_load %arg12[%get3A_781, %get3A_782] {strides = array<i32>} : memref<528x128xf32, #tpu.memory_space<vmem>>, vector<16xf32>,
      %mul3A_784 = arith.mulf %get3A_783, %get3A_55 : vector<16xf32>
      %get3A_785 = arith.index_cast %add3A_776 : i32 to index
      %get3A_786 = arith.constant 32 : index
      %get3A_787 = tpu.vector_load %arg12[%get3A_785, %get3A_786] {strides = array<i32>} : memref<528x128xf32, #tpu.memory_space<vmem>>, vector<16xf32>,
      %mul3A_788 = arith.mulf %get3A_787, %get3A_59 : vector<16xf32>
      %get3A_789 = arith.index_cast %add3A_776 : i32 to index
      %get3A_790 = arith.constant 48 : index
      %get3A_791 = tpu.vector_load %arg12[%get3A_789, %get3A_790] {strides = array<i32>} : memref<528x128xf32, #tpu.memory_space<vmem>>, vector<16xf32>,
      %mul3A_792 = arith.mulf %get3A_791, %get3A_63 : vector<16xf32>
      %get3A_793 = arith.index_cast %add3A_776 : i32 to index
      %get3A_794 = arith.constant 64 : index
      %get3A_795 = tpu.vector_load %arg12[%get3A_793, %get3A_794] {strides = array<i32>} : memref<528x128xf32, #tpu.memory_space<vmem>>, vector<16xf32>,
      %mul3A_796 = arith.mulf %get3A_795, %get3A_67 : vector<16xf32>
      %get3A_797 = arith.index_cast %add3A_776 : i32 to index
      %get3A_798 = arith.constant 80 : index
      %get3A_799 = tpu.vector_load %arg12[%get3A_797, %get3A_798] {strides = array<i32>} : memref<528x128xf32, #tpu.memory_space<vmem>>, vector<16xf32>,
      %mul3A_800 = arith.mulf %get3A_799, %get3A_71 : vector<16xf32>
      %get3A_801 = arith.index_cast %add3A_776 : i32 to index
      %get3A_802 = arith.constant 96 : index
      %get3A_803 = tpu.vector_load %arg12[%get3A_801, %get3A_802] {strides = array<i32>} : memref<528x128xf32, #tpu.memory_space<vmem>>, vector<16xf32>,
      %mul3A_804 = arith.mulf %get3A_803, %get3A_75 : vector<16xf32>
      %get3A_805 = arith.index_cast %add3A_776 : i32 to index
      %get3A_806 = arith.constant 112 : index
      %get3A_807 = tpu.vector_load %arg12[%get3A_805, %get3A_806] {strides = array<i32>} : memref<528x128xf32, #tpu.memory_space<vmem>>, vector<16xf32>,
      %mul3A_808 = arith.mulf %get3A_807, %get3A_79 : vector<16xf32>
      %add3A_809 = arith.addf %mul3A_780, %mul3A_784 : vector<16xf32>
      %add3A_810 = arith.addf %mul3A_788, %mul3A_792 : vector<16xf32>
      %add3A_811 = arith.addf %mul3A_796, %mul3A_800 : vector<16xf32>
      %add3A_812 = arith.addf %mul3A_804, %mul3A_808 : vector<16xf32>
      %add3A_813 = arith.addf %add3A_809, %add3A_810 : vector<16xf32>
      %add3A_814 = arith.addf %add3A_811, %add3A_812 : vector<16xf32>
      %add3A_815 = arith.addf %add3A_813, %add3A_814 : vector<16xf32>
      %reduce_sum3A_816 = arith.constant true
      %reduce_sum3A_817 = vector.broadcast %reduce_sum3A_816 : i1 to vector<16xi1>
      %reduce_sum3A_818 = tpu.scan <sum>, %add3A_815 masked %reduce_sum3A_817 : vector<16xf32>, vector<16xi1> -> vector<16xf32>
      %reduce_sum3A_819 = vector.extract %reduce_sum3A_818[15] : f32 from vector<16xf32>
      %eq3A_820 = arith.constant 13 : i32
      %eq3A_821 = vector.broadcast %eq3A_820 : i32 to vector<16xi32>
      %eq3A_822 = arith.cmpi eq, %iota3A, %eq3A_821 : vector<16xi32>
      %broadcast_in_dim3A_823 = vector.broadcast %reduce_sum3A_819 : f32 to vector<16xf32>
      %select_n3A_824 = arith.select %eq3A_822, %broadcast_in_dim3A_823, %select_n3A_774 : vector<16xi1>, vector<16xf32>
      %add3A_825 = arith.constant 14 : i32
      %add3A_826 = arith.addi %mul3A_125, %add3A_825 : i32
      %get3A_827 = arith.index_cast %add3A_826 : i32 to index
      %get3A_828 = arith.constant 0 : index
      %get3A_829 = tpu.vector_load %arg12[%get3A_827, %get3A_828] {strides = array<i32>} : memref<528x128xf32, #tpu.memory_space<vmem>>, vector<16xf32>,
      %mul3A_830 = arith.mulf %get3A_829, %get3A_51 : vector<16xf32>
      %get3A_831 = arith.index_cast %add3A_826 : i32 to index
      %get3A_832 = arith.constant 16 : index
      %get3A_833 = tpu.vector_load %arg12[%get3A_831, %get3A_832] {strides = array<i32>} : memref<528x128xf32, #tpu.memory_space<vmem>>, vector<16xf32>,
      %mul3A_834 = arith.mulf %get3A_833, %get3A_55 : vector<16xf32>
      %get3A_835 = arith.index_cast %add3A_826 : i32 to index
      %get3A_836 = arith.constant 32 : index
      %get3A_837 = tpu.vector_load %arg12[%get3A_835, %get3A_836] {strides = array<i32>} : memref<528x128xf32, #tpu.memory_space<vmem>>, vector<16xf32>,
      %mul3A_838 = arith.mulf %get3A_837, %get3A_59 : vector<16xf32>
      %get3A_839 = arith.index_cast %add3A_826 : i32 to index
      %get3A_840 = arith.constant 48 : index
      %get3A_841 = tpu.vector_load %arg12[%get3A_839, %get3A_840] {strides = array<i32>} : memref<528x128xf32, #tpu.memory_space<vmem>>, vector<16xf32>,
      %mul3A_842 = arith.mulf %get3A_841, %get3A_63 : vector<16xf32>
      %get3A_843 = arith.index_cast %add3A_826 : i32 to index
      %get3A_844 = arith.constant 64 : index
      %get3A_845 = tpu.vector_load %arg12[%get3A_843, %get3A_844] {strides = array<i32>} : memref<528x128xf32, #tpu.memory_space<vmem>>, vector<16xf32>,
      %mul3A_846 = arith.mulf %get3A_845, %get3A_67 : vector<16xf32>
      %get3A_847 = arith.index_cast %add3A_826 : i32 to index
      %get3A_848 = arith.constant 80 : index
      %get3A_849 = tpu.vector_load %arg12[%get3A_847, %get3A_848] {strides = array<i32>} : memref<528x128xf32, #tpu.memory_space<vmem>>, vector<16xf32>,
      %mul3A_850 = arith.mulf %get3A_849, %get3A_71 : vector<16xf32>
      %get3A_851 = arith.index_cast %add3A_826 : i32 to index
      %get3A_852 = arith.constant 96 : index
      %get3A_853 = tpu.vector_load %arg12[%get3A_851, %get3A_852] {strides = array<i32>} : memref<528x128xf32, #tpu.memory_space<vmem>>, vector<16xf32>,
      %mul3A_854 = arith.mulf %get3A_853, %get3A_75 : vector<16xf32>
      %get3A_855 = arith.index_cast %add3A_826 : i32 to index
      %get3A_856 = arith.constant 112 : index
      %get3A_857 = tpu.vector_load %arg12[%get3A_855, %get3A_856] {strides = array<i32>} : memref<528x128xf32, #tpu.memory_space<vmem>>, vector<16xf32>,
      %mul3A_858 = arith.mulf %get3A_857, %get3A_79 : vector<16xf32>
      %add3A_859 = arith.addf %mul3A_830, %mul3A_834 : vector<16xf32>
      %add3A_860 = arith.addf %mul3A_838, %mul3A_842 : vector<16xf32>
      %add3A_861 = arith.addf %mul3A_846, %mul3A_850 : vector<16xf32>
      %add3A_862 = arith.addf %mul3A_854, %mul3A_858 : vector<16xf32>
      %add3A_863 = arith.addf %add3A_859, %add3A_860 : vector<16xf32>
      %add3A_864 = arith.addf %add3A_861, %add3A_862 : vector<16xf32>
      %add3A_865 = arith.addf %add3A_863, %add3A_864 : vector<16xf32>
      %reduce_sum3A_866 = arith.constant true
      %reduce_sum3A_867 = vector.broadcast %reduce_sum3A_866 : i1 to vector<16xi1>
      %reduce_sum3A_868 = tpu.scan <sum>, %add3A_865 masked %reduce_sum3A_867 : vector<16xf32>, vector<16xi1> -> vector<16xf32>
      %reduce_sum3A_869 = vector.extract %reduce_sum3A_868[15] : f32 from vector<16xf32>
      %eq3A_870 = arith.constant 14 : i32
      %eq3A_871 = vector.broadcast %eq3A_870 : i32 to vector<16xi32>
      %eq3A_872 = arith.cmpi eq, %iota3A, %eq3A_871 : vector<16xi32>
      %broadcast_in_dim3A_873 = vector.broadcast %reduce_sum3A_869 : f32 to vector<16xf32>
      %select_n3A_874 = arith.select %eq3A_872, %broadcast_in_dim3A_873, %select_n3A_824 : vector<16xi1>, vector<16xf32>
      %add3A_875 = arith.constant 15 : i32
      %add3A_876 = arith.addi %mul3A_125, %add3A_875 : i32
      %get3A_877 = arith.index_cast %add3A_876 : i32 to index
      %get3A_878 = arith.constant 0 : index
      %get3A_879 = tpu.vector_load %arg12[%get3A_877, %get3A_878] {strides = array<i32>} : memref<528x128xf32, #tpu.memory_space<vmem>>, vector<16xf32>,
      %mul3A_880 = arith.mulf %get3A_879, %get3A_51 : vector<16xf32>
      %get3A_881 = arith.index_cast %add3A_876 : i32 to index
      %get3A_882 = arith.constant 16 : index
      %get3A_883 = tpu.vector_load %arg12[%get3A_881, %get3A_882] {strides = array<i32>} : memref<528x128xf32, #tpu.memory_space<vmem>>, vector<16xf32>,
      %mul3A_884 = arith.mulf %get3A_883, %get3A_55 : vector<16xf32>
      %get3A_885 = arith.index_cast %add3A_876 : i32 to index
      %get3A_886 = arith.constant 32 : index
      %get3A_887 = tpu.vector_load %arg12[%get3A_885, %get3A_886] {strides = array<i32>} : memref<528x128xf32, #tpu.memory_space<vmem>>, vector<16xf32>,
      %mul3A_888 = arith.mulf %get3A_887, %get3A_59 : vector<16xf32>
      %get3A_889 = arith.index_cast %add3A_876 : i32 to index
      %get3A_890 = arith.constant 48 : index
      %get3A_891 = tpu.vector_load %arg12[%get3A_889, %get3A_890] {strides = array<i32>} : memref<528x128xf32, #tpu.memory_space<vmem>>, vector<16xf32>,
      %mul3A_892 = arith.mulf %get3A_891, %get3A_63 : vector<16xf32>
      %get3A_893 = arith.index_cast %add3A_876 : i32 to index
      %get3A_894 = arith.constant 64 : index
      %get3A_895 = tpu.vector_load %arg12[%get3A_893, %get3A_894] {strides = array<i32>} : memref<528x128xf32, #tpu.memory_space<vmem>>, vector<16xf32>,
      %mul3A_896 = arith.mulf %get3A_895, %get3A_67 : vector<16xf32>
      %get3A_897 = arith.index_cast %add3A_876 : i32 to index
      %get3A_898 = arith.constant 80 : index
      %get3A_899 = tpu.vector_load %arg12[%get3A_897, %get3A_898] {strides = array<i32>} : memref<528x128xf32, #tpu.memory_space<vmem>>, vector<16xf32>,
      %mul3A_900 = arith.mulf %get3A_899, %get3A_71 : vector<16xf32>
      %get3A_901 = arith.index_cast %add3A_876 : i32 to index
      %get3A_902 = arith.constant 96 : index
      %get3A_903 = tpu.vector_load %arg12[%get3A_901, %get3A_902] {strides = array<i32>} : memref<528x128xf32, #tpu.memory_space<vmem>>, vector<16xf32>,
      %mul3A_904 = arith.mulf %get3A_903, %get3A_75 : vector<16xf32>
      %get3A_905 = arith.index_cast %add3A_876 : i32 to index
      %get3A_906 = arith.constant 112 : index
      %get3A_907 = tpu.vector_load %arg12[%get3A_905, %get3A_906] {strides = array<i32>} : memref<528x128xf32, #tpu.memory_space<vmem>>, vector<16xf32>,
      %mul3A_908 = arith.mulf %get3A_907, %get3A_79 : vector<16xf32>
      %add3A_909 = arith.addf %mul3A_880, %mul3A_884 : vector<16xf32>
      %add3A_910 = arith.addf %mul3A_888, %mul3A_892 : vector<16xf32>
      %add3A_911 = arith.addf %mul3A_896, %mul3A_900 : vector<16xf32>
      %add3A_912 = arith.addf %mul3A_904, %mul3A_908 : vector<16xf32>
      %add3A_913 = arith.addf %add3A_909, %add3A_910 : vector<16xf32>
      %add3A_914 = arith.addf %add3A_911, %add3A_912 : vector<16xf32>
      %add3A_915 = arith.addf %add3A_913, %add3A_914 : vector<16xf32>
      %reduce_sum3A_916 = arith.constant true
      %reduce_sum3A_917 = vector.broadcast %reduce_sum3A_916 : i1 to vector<16xi1>
      %reduce_sum3A_918 = tpu.scan <sum>, %add3A_915 masked %reduce_sum3A_917 : vector<16xf32>, vector<16xi1> -> vector<16xf32>
      %reduce_sum3A_919 = vector.extract %reduce_sum3A_918[15] : f32 from vector<16xf32>
      %eq3A_920 = arith.constant 15 : i32
      %eq3A_921 = vector.broadcast %eq3A_920 : i32 to vector<16xi32>
      %eq3A_922 = arith.cmpi eq, %iota3A, %eq3A_921 : vector<16xi32>
      %broadcast_in_dim3A_923 = vector.broadcast %reduce_sum3A_919 : f32 to vector<16xf32>
      %select_n3A_924 = arith.select %eq3A_922, %broadcast_in_dim3A_923, %select_n3A_874 : vector<16xi1>, vector<16xf32>
      %neg3A = arith.constant 0.000000e+00 : f32
      %neg3A_925 = vector.broadcast %neg3A : f32 to vector<16xf32>
      %neg3A_926 = arith.subf %neg3A_925, %select_n3A_924 : vector<16xf32>
      %exp3A = math.exp %neg3A_926 : vector<16xf32>
      %add3A_927 = arith.constant 1.000000e+00 : f32
      %add3A_928 = vector.broadcast %add3A_927 : f32 to vector<16xf32>
      %add3A_929 = arith.addf %add3A_928, %exp3A : vector<16xf32>
      %div3A = arith.constant 1.000000e+00 : f32
      %div3A_930 = vector.broadcast %div3A : f32 to vector<16xf32>
      %div3A_931 = arith.divf %div3A_930, %add3A_929 : vector<16xf32>
      %swap3A = arith.index_cast %mul3A_125 : i32 to index
      %swap3A_932 = tpu.vector_load %arg14[%swap3A] {strides = array<i32>} : memref<528xf32, #tpu.memory_space<vmem>>, vector<16xf32>,
      tpu.vector_store %arg14[%swap3A], %div3A_931 {strides = array<i32>} : memref<528xf32, #tpu.memory_space<vmem>>, vector<16xf32>,
      %while3A_933 = arith.constant 0 : i32
      scf.yield %while3A_933 : i32
    }
    %mul3A_98 = arith.constant 512 : i32
    %mul3A_99 = arith.muli %add3A, %mul3A_98 : i32
    "tpu.region"() ({
      %run_scoped3A = tpu.sem_alloc : memref<!tpu.dma_semaphore, #tpu.memory_space<semaphore_mem>>
      %dma_start3A_103 = arith.constant 0 : i32
      %dma_start3A_104 = tpu.memref_slice %arg14[%dma_start3A_103] : memref<528xf32, #tpu.memory_space<vmem>> -> memref<512xf32, #tpu.memory_space<vmem>>
      %dma_start3A_105 = tpu.memref_slice %arg8[%mul3A_99] : memref<16384xf32, #tpu.memory_space<hbm>> -> memref<512xf32, #tpu.memory_space<hbm>>
      %dma_start3A_106 = tpu.memref_slice %arg8[%mul3A_99] : memref<16384xf32, #tpu.memory_space<hbm>> -> memref<512xf32, #tpu.memory_space<hbm>>
      %dma_start3A_107 = arith.constant 0 : i32
      %dma_start3A_108 = tpu.memref_slice %arg14[%dma_start3A_107] : memref<528xf32, #tpu.memory_space<vmem>> -> memref<512xf32, #tpu.memory_space<vmem>>
      tpu.enqueue_dma source(%dma_start3A_108 : memref<512xf32, #tpu.memory_space<vmem>>) target(%dma_start3A_106 : memref<512xf32, #tpu.memory_space<hbm>>) target_semaphore(%run_scoped3A : memref<!tpu.dma_semaphore, #tpu.memory_space<semaphore_mem>>)
      %dma_wait3A_109 = arith.constant 0 : i32
      %dma_wait3A_110 = tpu.memref_slice %arg14[%dma_wait3A_109] : memref<528xf32, #tpu.memory_space<vmem>> -> memref<512xf32, #tpu.memory_space<vmem>>
      %dma_wait3A_111 = tpu.memref_slice %arg8[%mul3A_99] : memref<16384xf32, #tpu.memory_space<hbm>> -> memref<512xf32, #tpu.memory_space<hbm>>
      %dma_wait3A_112 = tpu.memref_slice %arg8[%mul3A_99] : memref<16384xf32, #tpu.memory_space<hbm>> -> memref<512xf32, #tpu.memory_space<hbm>>
      %dma_wait3A_113 = arith.constant 0 : i32
      %dma_wait3A_114 = tpu.memref_slice %arg14[%dma_wait3A_113] : memref<528xf32, #tpu.memory_space<vmem>> -> memref<512xf32, #tpu.memory_space<vmem>>
      tpu.wait_dma2 semaphore(%run_scoped3A : memref<!tpu.dma_semaphore, #tpu.memory_space<semaphore_mem>>) src(%dma_wait3A_114 : memref<512xf32, #tpu.memory_space<vmem>>) dst(%dma_wait3A_112 : memref<512xf32, #tpu.memory_space<hbm>>)
      tpu.yield
    }) : () -> ()
    %convert_element_type3A_100 = arith.extui %lt3A_1 : i1 to i32
    %cond3A_101 = arith.constant 0 : i32
    %cond3A_102 = arith.cmpi ne, %convert_element_type3A_100, %cond3A_101 : i32
    scf.if %cond3A_102 {
      %mul3A_103 = arith.constant 8 : i32
      %mul3A_104 = arith.muli %add3A, %mul3A_103 : i32
      "tpu.region"() ({
        %run_scoped3A = tpu.sem_alloc : memref<!tpu.dma_semaphore, #tpu.memory_space<semaphore_mem>>
        %dma_start3A_105 = arith.constant 512 : i32
        %dma_start3A_106 = tpu.memref_slice %arg14[%dma_start3A_105] : memref<528xf32, #tpu.memory_space<vmem>> -> memref<8xf32, #tpu.memory_space<vmem>>
        %dma_start3A_107 = tpu.memref_slice %arg7[%mul3A_104] : memref<200xf32, #tpu.memory_space<hbm>> -> memref<8xf32, #tpu.memory_space<hbm>>
        %dma_start3A_108 = tpu.memref_slice %arg7[%mul3A_104] : memref<200xf32, #tpu.memory_space<hbm>> -> memref<8xf32, #tpu.memory_space<hbm>>
        %dma_start3A_109 = arith.constant 512 : i32
        %dma_start3A_110 = tpu.memref_slice %arg14[%dma_start3A_109] : memref<528xf32, #tpu.memory_space<vmem>> -> memref<8xf32, #tpu.memory_space<vmem>>
        tpu.enqueue_dma source(%dma_start3A_110 : memref<8xf32, #tpu.memory_space<vmem>>) target(%dma_start3A_108 : memref<8xf32, #tpu.memory_space<hbm>>) target_semaphore(%run_scoped3A : memref<!tpu.dma_semaphore, #tpu.memory_space<semaphore_mem>>)
        %dma_wait3A_111 = arith.constant 512 : i32
        %dma_wait3A_112 = tpu.memref_slice %arg14[%dma_wait3A_111] : memref<528xf32, #tpu.memory_space<vmem>> -> memref<8xf32, #tpu.memory_space<vmem>>
        %dma_wait3A_113 = tpu.memref_slice %arg7[%mul3A_104] : memref<200xf32, #tpu.memory_space<hbm>> -> memref<8xf32, #tpu.memory_space<hbm>>
        %dma_wait3A_114 = tpu.memref_slice %arg7[%mul3A_104] : memref<200xf32, #tpu.memory_space<hbm>> -> memref<8xf32, #tpu.memory_space<hbm>>
        %dma_wait3A_115 = arith.constant 512 : i32
        %dma_wait3A_116 = tpu.memref_slice %arg14[%dma_wait3A_115] : memref<528xf32, #tpu.memory_space<vmem>> -> memref<8xf32, #tpu.memory_space<vmem>>
        tpu.wait_dma2 semaphore(%run_scoped3A : memref<!tpu.dma_semaphore, #tpu.memory_space<semaphore_mem>>) src(%dma_wait3A_116 : memref<8xf32, #tpu.memory_space<vmem>>) dst(%dma_wait3A_114 : memref<8xf32, #tpu.memory_space<hbm>>)
        tpu.yield
      }) : () -> ()
    } else {
    }
    return
  }
}

</mosaic_0001>

<sc_bundles>
// kernel: _w2v.3.cloned.1.call-start
scs
__scs_entry_jumppad:
0x0: {  	(pc) =	sbr.rel $0x88, $3  }
0x1: {  	(tag) =	ssettag $0x0;
	lr =	simm.s32 $0x1  }
0x2: {  	[smem:$0x3F9C] =	sst lr;
	_ =	strace $0xD0000000  }
0x3: {  	_ = 	snop  }
0x4: {  	_ = 	snop  }
0x5: {  	_ = 	snop  }
0x6: {  	_ = 	snop  }
0x7: {  	_ = 	snop  }
__scs_overlays_trampoline_lowered:
0x8: {  	[smem:$0x3FAB] =	sst s0  }
0x9: {  	[smem:$0x3FAC] =	sst s1  }
0xa: {  	[smem:$0x3FAD] =	sst s2  }
0xb: {  	[smem:$0x3FAE] =	sst s3  }
0xc: {  	[smem:$0x3FAF] =	sst s4  }
0xd: {  	[smem:$0x3FB0] =	sst s5  }
0xe: {  	[smem:$0x3FB1] =	sst s6  }
0xf: {  	[smem:$0x3FB2] =	sst s7  }
0x10: {  	[smem:$0x3FB3] =	sst s8  }
0x11: {  	[smem:$0x3FB4] =	sst s9;
	s0 =	simm.s32 @!p0 $0x0  }
0x12: {  	s1 =	sld [smem:$0x3F9A];
	s0 =	simm.s32 @p0 $0x1  }
0x13: {  	[smem:$0x3FB5] =	sst s0;
	s0 =	simm.s32 @!p1 $0x0  }
0x14: {  	s2 =	sld [smem:$0x3F99];
	s0 =	simm.s32 @p1 $0x1  }
0x15: {  	[smem:$0x3FB6] =	sst s0;
	s0 =	simm.s32 @!p2 $0x0  }
0x16: {  	s3 =	sld [smem:$0x3FDB];
	s0 =	simm.s32 @p2 $0x1  }
0x17: {  	s4 =	simm.s32 $0x1BF5;
	[smem:$0x3FB8] =	sst s0  }
0x18: {  	s0 =	sld [smem:$0x3F9B];
	_ =	swait.ge [sflag:s4], $0x0  }
0x19: {  	s7 =	sld [smem:$0x3F9C]  }
0x1a: {  	s8 =	sadd.s32 $0xFFFFE003, lr  }
0x1b: {  	s9 =	sadd.s32 $0xFFFFFEF7, lr;
	s5 =	simm.s32 $0xFFFFFFFF;
	p2 =	slt.u32 s8, $0xFFFFF086  }
0x1c: {  	p1 =	slt.u32 s9, $0xF7A;
	s5 =	simm.s32 @!p2 $0x0  }
0x1d: {  	s5 =	simm.s32 @p1 $0x1;
	p0 =	seq.s32 s7, s2  }
0x1e: {  	s7 =	smul.u32 @!p0 $0xF7A, s2;
	p2 =	seq.s32 @!p0 s5, $0x0  }
0x1f: {  	s9 =	smul.u32 $0xF7A, s1;
	s8 =	simm.s32 @!p0 $0x1BF5;
	p2 =	por !p2, p0  }
0x20: {  	[sflag:s8] =	ssyncset.s32 @!p0 $0xFFFFF086;
	s6 =	sadd.s32 @!p0 s3, s7;
	s7 =	simm.s32 @!p0 $0x108  }
0x21: {  	s3 =	sadd.s32 s3, s9;
	s6 =	sadd.s32 @!p0 $0x88, s6;
	s7 =	simm.s32 @p2 $0x1082  }
0x22: {  	[simem:s7], [sflag:s8] =	dma.local @!p0 [hbm:s6], $0xF7A  }
0x23: {  	s9 =	sor.u32 $0xD0000000, s2;
	s6 =	simm.s32 $0x108;
	_ =	swait.ge @!p0 [sflag:s8], $0x0  }
0x24: {  	s3 =	sadd.s32 $0x88, s3;
	s6 =	simm.s32 @!p1 $0x1082;
	[sflag:s4] =	ssyncset.s32 $0xFFFFF086  }
0x25: {  	[simem:s6], [sflag:s4] =	dma.local [hbm:s3], $0xF7A  }
0x26: {  	[smem:$0x3F9C] =	sst s1;
	(tag) =	ssettag s2;
	_ =	strace s9  }
0x27: {  	s1 =	sld [smem:$0x3FAC]  }
0x28: {  	s2 =	sld [smem:$0x3FAD]  }
0x29: {  	s4 =	sld [smem:$0x3FAF]  }
0x2a: {  	p0 =	seq.s32 s5, $0x0;
	s5 =	sld [smem:$0x3FB0]  }
0x2b: {  	s6 =	sld [smem:$0x3FB1]  }
0x2c: {  	s7 =	sld [smem:$0x3FB2]  }
0x2d: {  	s3 =	simm.s32 $0x108;
	s8 =	sld [smem:$0x3FB3]  }
0x2e: {  	s3 =	simm.s32 @!p0 $0x1082;
	s9 =	sld [smem:$0x3FB4]  }
0x2f: {  	lr =	sadd.s32 s0, s3;
	s0 =	sld [smem:$0x3FAB]  }
0x30: {  	s3 =	sld [smem:$0x3FAE]  }
0x31: {  	[smem:$0x3FB7] =	sst s10  }
0x32: {  	s10 =	sld [smem:$0x3FB5];
	_ =	sdelay $0x3  }
0x33: {  	p0 =	seq.s32 s10, $0x1;
	s10 =	sld [smem:$0x3FB7];
	_ =	sdelay $0x3  }
0x34: {  	[smem:$0x3FB7] =	sst s10  }
0x35: {  	s10 =	sld [smem:$0x3FB6];
	_ =	sdelay $0x3  }
0x36: {  	p1 =	seq.s32 s10, $0x1;
	s10 =	sld [smem:$0x3FB7];
	_ =	sdelay $0x3  }
0x37: {  	[smem:$0x3FB7] =	sst s10  }
0x38: {  	s10 =	sld [smem:$0x3FB8]  }
0x39: {  	_ = 	snop;
	(pc) =	sbr.ind lr, $3  }
0x3a: {  	_ = 	snop  }
0x3b: {  	_ = 	snop  }
0x3c: {  	p2 =	seq.s32 s10, $0x1;
	s10 =	sld [smem:$0x3FB7]  }
0x3d: {  	_ =	shalt  }
0x3e: {  	_ =	shalt  }
0x3f: {  	_ =	shalt  }
0x40: {  	_ =	shalt  }
0x41: {  	_ =	shalt  }
0x42: {  	_ =	shalt  }
0x43: {  	_ =	shalt  }
0x44: {  	_ =	shalt  }
0x45: {  	_ =	shalt  }
0x46: {  	_ =	shalt  }
0x47: {  	_ =	shalt  }
0x48: {  	_ =	shalt  }
0x49: {  	_ =	shalt  }
0x4a: {  	_ =	shalt  }
0x4b: {  	_ =	shalt  }
0x4c: {  	_ =	shalt  }
0x4d: {  	_ =	shalt  }
0x4e: {  	_ =	shalt  }
0x4f: {  	_ =	shalt  }
0x50: {  	_ =	shalt  }
0x51: {  	_ =	shalt  }
0x52: {  	_ =	shalt  }
0x53: {  	_ =	shalt  }
0x54: {  	_ =	shalt  }
0x55: {  	_ =	shalt  }
0x56: {  	_ =	shalt  }
0x57: {  	_ =	shalt  }
0x58: {  	_ =	shalt  }
0x59: {  	_ =	shalt  }
0x5a: {  	_ =	shalt  }
0x5b: {  	_ =	shalt  }
0x5c: {  	_ =	shalt  }
0x5d: {  	_ =	shalt  }
0x5e: {  	_ =	shalt  }
0x5f: {  	_ =	shalt  }
0x60: {  	_ =	shalt  }
0x61: {  	_ =	shalt  }
0x62: {  	_ =	shalt  }
0x63: {  	_ =	shalt  }
0x64: {  	_ =	shalt  }
0x65: {  	_ =	shalt  }
0x66: {  	_ =	shalt  }
0x67: {  	_ =	shalt  }
0x68: {  	_ =	shalt  }
0x69: {  	_ =	shalt  }
0x6a: {  	_ =	shalt  }
0x6b: {  	_ =	shalt  }
0x6c: {  	_ =	shalt  }
0x6d: {  	_ =	shalt  }
0x6e: {  	_ =	shalt  }
0x6f: {  	_ =	shalt  }
0x70: {  	_ =	shalt  }
0x71: {  	_ =	shalt  }
0x72: {  	_ =	shalt  }
0x73: {  	_ =	shalt  }
0x74: {  	_ =	shalt  }
0x75: {  	_ =	shalt  }
0x76: {  	_ =	shalt  }
0x77: {  	_ =	shalt  }
0x78: {  	_ =	shalt  }
0x79: {  	_ =	shalt  }
0x7a: {  	_ =	shalt  }
0x7b: {  	_ =	shalt  }
0x7c: {  	_ =	shalt  }
0x7d: {  	_ =	shalt  }
0x7e: {  	_ =	shalt  }
0x7f: {  	_ =	shalt  }
0x80: {  	_ =	shalt  }
0x81: {  	_ =	shalt  }
0x82: {  	_ =	shalt  }
0x83: {  	_ =	shalt  }
0x84: {  	_ =	shalt  }
0x85: {  	_ =	shalt  }
0x86: {  	_ =	shalt  }
0x87: {  	_ =	shalt  }
.Lfunc_end0:
.L_simem_size_0:
called_computation_lowered:
.L_overlay_start_0:
0x88: {  	s2 =	sld [smem:$0x3FD9]  }
0x89: {  	s3 =	sld [smem:$0x3FFE];
	_ =	sdelay $0x1  }
0x8a: {  	s1 =	srdreg.scid  }
0x8b: {  	s0 =	sand.u32 $0x1, s1  }
0x8c: {  	s15 =	sshll.u32 s0, $0xA;
	s2 =	sadd.s32 s3, s2  }
0x8d: {  	s2 =	sadd.s32 s2, s15  }
0x8e: {  	[smem:$0x3FC3] =	sst s2  }
0x8f: {  	_ = 	snop  }
0x90: {  	s2 =	sld [smem:$0x3FC9]  }
0x91: {  	s16 =	sld [smem:$0x3FC8]  }
0x92: {  	s4 =	sld [smem:$0x3FD0]  }
0x93: {  	s5 =	sld [smem:$0x3FC7]  }
0x94: {  	s6 =	sld [smem:$0x3FC6]  }
0x95: {  	s8 =	simm.s32 $0xA;
	s9 =	simm.s32 $0x10;
	s7 =	sld [smem:$0x3FC5]  }
0x96: {  	[smem:s9], [sflag:s8] =	dma.local [hbm:s4], $0x1  }
0x97: {  	_ =	swait.eq [sflag:s8], $0x1  }
0x98: {  	[sflag:s8] =	ssyncset.done $0x0  }
0x99: {  	s17 =	sld [smem:$0x10];
	[sflag:s8] =	ssyncadd.s32 $0xFFFFFFFF  }
0x9a: {  	s18 =	sld [smem:$0x11];
	(tm) =	ssettm $0x1  }
0x9b: {  	s19 =	sld [smem:$0x3FFB];
	_ =	sdelay $0x3  }
0x9c: {  	_ =	strace s19  }
0x9d: {  	s9 =	sld [smem:$0x3FFC];
	_ =	sdelay $0x3  }
0x9e: {  	_ =	strace s9  }
0x9f: {  	s9 =	sld [smem:$0x3FFD];
	_ =	sdelay $0x3  }
0xa0: {  	_ =	strace s9  }
0xa1: {  	_ =	strace $0x8FFFFFFF  }
0xa2: {  	s20 =	sld [smem:$0x3FDB];
	_ =	sdelay $0x1  }
0xa3: {  	s10 =	simm.s32 $_scs_section_size  }
0xa4: {  	s11 =	simm.s32 $_size__tile_overlayer_lowered;
	s12 =	simm.s32 $_tile_overlayer_lowered  }
0xa5: {  	s23 =	simm.s32 $0x1BFF;
	s22 =	sshll.u32 s12, $0x1;
	s9 =	sadd.s32 s10, s20  }
0xa6: {  	s13 =	simm.s32 $0x0;
	s21 =	sshll.u32 s11, $0x1;
	s11 =	sadd.s32 s22, s9  }
0xa7: {  	[timem:s13], [sflag:s23] =	dma.local [hbm:s11], s21  }
0xa8: {  	_ =	swait.ge [sflag:s23], s21  }
0xa9: {  	s10 =	ssub.s32 $0x0, s21;
	[sflag:s23] =	ssyncset.done $0x0  }
0xaa: {  	[sflag:s23] =	ssyncadd.s32 s10;
	_ =	sdelay $0x1  }
0xab: {  	s24 =	simm.s32 $0x1B8B  }
0xac: {  	_ =	swait.ge [sflag:s24], $0x1  }
0xad: {  	[sflag:s24] =	ssyncset.done $0x0  }
0xae: {  	s25 =	simm.s32 $0x1B8E;
	[sflag:s24] =	ssyncadd.s32 $0xFFFFFFFF  }
0xaf: {  	s26 =	simm.s32 $execute0_lowered;
	[smem:$0x3FD2] =	sst s25  }
0xb0: {  	s10 =	sshll.u32 s26, $0x1;
	_ =	strace $0x80000046;
	[dreg:$0x1] =	wrdreg $0xFFFFFFFF  }
0xb1: {  	s28 =	simm.s32 $_size_execute0_lowered;
	s9 =	sadd.s32 s9, s10;
	[dreg:$0x0] =	wrdreg $0x0  }
0xb2: {  	s10 =	sshll.u32 s28, $0x1;
	[dreg:$0x2] =	wrdreg s9  }
0xb3: {  	[dreg:$0x3] =	wrdreg s10  }
0xb4: {  	[dreg:$0x4] =	wrdreg $0xC0  }
0xb5: {  	_ =	task [dreg:s13], $0x5FFFF  }
0xb6: {  	[dreg:$0x1] =	wrdreg $0xFFFFFFFF  }
0xb7: {  	[dreg:$0x0] =	wrdreg $0x60  }
0xb8: {  	[dreg:$0x2] =	wrdreg s2  }
0xb9: {  	[dreg:$0x3] =	wrdreg s16  }
0xba: {  	[dreg:$0x4] =	wrdreg s5  }
0xbb: {  	[dreg:$0x5] =	wrdreg s6  }
0xbc: {  	[dreg:$0x6] =	wrdreg s7  }
0xbd: {  	[dreg:$0x7] =	wrdreg s17  }
0xbe: {  	[dreg:$0x8] =	wrdreg s18  }
0xbf: {  	[dreg:$0x9] =	wrdreg $0x9  }
0xc0: {  	_ =	task.clear_ibuf [dreg:s13], $0xAFFFF;
	_ =	strace $0x90000046  }
0xc1: {  	s29 =	simm.s32 $0x9;
	_ =	strace $0x80000048  }
0xc2: {  	_ =	swait.ge [sflag:s29], $0x1  }
0xc3: {  	[sflag:s29] =	ssyncadd.s32 $0xFFFFFFFF  }
0xc4: {  	_ =	strace $0x90000048  }
0xc5: {  	_ =	sfence  }
0xc6: {  	s30 =	sld [smem:$0x0];
	_ =	sdelay $0x2  }
0xc7: {  	s31 =	sshll.u32 s1, $0xD;
	s1 =	sshrl.u32 s1, $0x2  }
0xc8: {  	s3 =	sand.u32 $0x4000, s31;
	s1 =	sadd.s32 s1, s30  }
0xc9: {  	s0 =	sor.u32 s3, s0;
	s1 =	sshll.u32 s1, $0x11  }
0xca: {  	s0 =	sor.u32 s1, s0  }
0xcb: {  	s0 =	sadd.s32 $0x8F2B, s0  }
0xcc: {  	[sflag:s0] =	ssyncadd.remote.s32 $0x1  }
0xcd: {  	_ =	sfence.sel $0xFFFF  }
0xce: {  	[dreg:$0x0] =	wrdreg $0xFFFFFFFF;
	(pc) =	sbr.abs _section_cstart, $3  }
0xcf: {  	[dreg:$0x1] =	wrdreg $0xFFFFFFFF  }
0xd0: {  	_ =	task.clear_ibuf [dreg:s13], $0x2FFFF;
	_ =	strace $0x9FFFFFFF  }
0xd1: {  	(tm) =	ssettm $0x7FFFFFFF  }
tec
execute0_lowered:
.L_overlay_start_1:
0x0: {  	(tag) =	ssettag $0x1  }
0x1: {  	s0 =	rddreg [dreg:$0x0]  }
0x2: {  	s7 =	rddreg [dreg:$0x1]  }
0x3: {  	s6 =	rddreg [dreg:$0x2]  }
0x4: {  	s2 =	rddreg [dreg:$0x3]  }
0x5: {  	s3 =	rddreg [dreg:$0x4]  }
0x6: {  	s9 =	rddreg [dreg:$0x5]  }
0x7: {  	s8 =	rddreg [dreg:$0x6];
	s5 =	srdreg.scid  }
0x8: {  	s1 =	rddreg [dreg:$0x7];
	s4 =	simm.s32 $0x0;
	s14 =	simm.s32 $0x300  }
0x9: {  	s15 =	simm.s32 $0x180;
	s16 =	simm.s32 $0x4300;
	s17 =	simm.s32 $0x200  }
0xa: {  	s18 =	simm.s32 $0x8300;
	s19 =	simm.s32 $0x280;
	s20 =	simm.s32 $0xC300  }
0xb: {  	s21 =	simm.s32 $0x1;
	s22 =	simm.s32 $0x6;
	s23 =	simm.s32 $0x10B80  }
0xc: {  	s24 =	simm.s32 $0x0;
	s10 =	sand.u32 $0x1, s5;
	[smem:$0x7FF] =	sst s4  }
0xd: {  	s5 =	stileid.u32;
	s11 =	ssub.s32 $0x2, s10;
	_ =	strace $0x80000047  }
0xe: {  	s29 =	sshll.u32 s5, $0x1;
	s13 =	sshll.u32 s10, $0x6;
	s30 =	sshll.u32 s5, $0x7  }
.Ltmp0:
0xf: {  	vm0 =	vmmov $0x1;
	vm1 =	vmmov $0x3;
	vm2 =	vmmov $0x7;
	s12 =	sshrl.u32 s11, $0x1;
	s6 =	sadd.s32 s6, s13;
	(pc) =	sbr.rel .LBB2_1-.Ltmp0, $4  }
0x10: {  	vm3 =	vmmov $0xf;
	vm4 =	vmmov $0x1f;
	vm5 =	vmmov $0x3f;
	s13 =	simm.s32 $0x80;
	s11 =	ssub.s32 s11, s12;
	s12 =	sor.u32 s10, s29  }
0x11: {  	vm6 =	vmmov $0x7f;
	vm7 =	vmmov $0xff;
	vm8 =	vmmov $0x1ff;
	s6 =	sadd.s32 s30, s6;
	s7 =	sadd.s32 s7, s12;
	s31 =	sshll.u32 s12, $0x6  }
0x12: {  	vm9 =	vmmov $0x3ff;
	vm10 =	vmmov $0x7ff;
	vm11 =	vmmov $0xfff;
	s9 =	sadd.s32 s9, s12;
	s10 =	smax.u32 s11, $0x1;
	p0 =	sgt.u32 s12, $0x18  }
0x13: {  	vm12 =	vmmov $0x1fff;
	vm13 =	vmmov $0x3fff;
	vm14 =	vmmov $0x7fff;
	s11 =	simm.s32 $0x100;
	s12 =	simm.s32 $0x7;
	s8 =	sadd.s32 s8, s31  }
.LBB2_13:
0x14: {  	[hbm4b:s8+s4] =	stream.linear.scatter [tilespmem:s23], [sflag:$0x7], $0x200, $0x38;
	[tilespmem:$0x10E00] =	vst v63  }
0x15: {  	_ =	swait.ge [sflag:s12], $0x200  }
0x16: {  	s25 =	simm.s32 @!p0 $0x0;
	s24 =	sadd.s32 $0x1, s24;
	[sflag:s12] =	ssyncset.done $0x0  }
0x17: {  	s26 =	simm.s32 @!p0 $0x10D80;
	p1 =	sne.s32 s24, s10;
	[sflag:s12] =	ssyncadd.s32 $0xFFFFFE00  }
0x18: {  	[hbm4b:s9+s25] =	stream.linear.scatter @!p0 [tilespmem:s26], [sflag:$0x7], $0x8, $0x38;
	[tilespmem:$0x10E00] =	vst v63  }
.Ltmp1:
0x19: {  	_ = 	snop;
	(pc) =	sbr.rel @!p1 .LBB2_14-.Ltmp1, $4  }
0x1a: {  	s25 =	simm.s32 @!p0 $0x7  }
0x1b: {  	_ =	swait.ge @!p0 [sflag:s25], $0x8  }
0x1c: {  	[sflag:s25] =	ssyncset.done @!p0 $0x0  }
0x1d: {  	[sflag:s25] =	ssyncadd.s32 @!p0 $0xFFFFFFF8  }
.LBB2_1:
0x1e: {  	[tilespmem:s11], [sflag:$0x7] =	stream.linear.gather [hbm4b:s6+s4], $0x200, $0x38;
	[tilespmem:$0x10E00] =	vst v63  }
0x1f: {  	_ =	swait.ge [sflag:s12], $0x200  }
0x20: {  	[sflag:s12] =	ssyncset.done $0x0  }
0x21: {  	[sflag:s12] =	ssyncadd.s32 $0xFFFFFE00  }
0x22: {  	[tilespmem:s14], [sflag:$0x1] =	stream.indirect.gather [hbm4b:s3+s13], $0x80, s11, s13, $0xb8;
	[tilespmem:$0x10E00] =	vst v63  }
0x23: {  	_ = 	snop  }
0x24: {  	[tilespmem:s16], [sflag:$0x2] =	stream.indirect.gather [hbm4b:s3+s13], $0x80, s15, s13, $0xb8;
	[tilespmem:$0x10E00] =	vst v63  }
0x25: {  	_ = 	snop  }
0x26: {  	[tilespmem:s18], [sflag:$0x3] =	stream.indirect.gather [hbm4b:s3+s13], $0x80, s17, s13, $0xb8;
	[tilespmem:$0x10E00] =	vst v63  }
0x27: {  	_ = 	snop  }
0x28: {  	[tilespmem:s20], [sflag:$0x4] =	stream.indirect.gather [hbm4b:s3+s13], $0x80, s19, s13, $0xb8;
	[tilespmem:$0x10E00] =	vst v63  }
0x29: {  	s25 =	simm.s32 @!p0 $0x0;
	s26 =	simm.s32 @!p0 $0x10B00  }
0x2a: {  	[tilespmem:s26], [sflag:$0x7] =	stream.linear.gather @!p0 [hbm4b:s7+s25], $0x8, $0x38;
	[tilespmem:$0x10E00] =	vst v63  }
0x2b: {  	s25 =	simm.s32 @!p0 $0x7  }
0x2c: {  	_ =	swait.ge @!p0 [sflag:s25], $0x8  }
0x2d: {  	[sflag:s25] =	ssyncset.done @!p0 $0x0  }
0x2e: {  	s28 =	simm.s32 @!p0 $0x10300;
	[sflag:s25] =	ssyncadd.s32 @!p0 $0xFFFFFFF8;
	s25 =	simm.s32 @!p0 $0x8  }
0x2f: {  	[tilespmem:s28], [sflag:$0x5] =	stream.indirect.gather @!p0 [hbm4b:s3+s25], $0x80, s26, s25, $0xb8;
	[tilespmem:$0x10E00] =	vst v63  }
0x30: {  	s25 =	simm.s32 @!p0 $0x5  }
0x31: {  	_ =	swait.ge @!p0 [sflag:s25], $0x400  }
0x32: {  	[sflag:s25] =	ssyncset.done @!p0 $0x0  }
0x33: {  	[sflag:s25] =	ssyncadd.s32 @!p0 $0xFFFFFC00  }
0x34: {  	[tilespmem:s4], [sflag:$0x7] =	stream.linear.gather [hbm4b:s0+s4], $0x80, $0x38;
	[tilespmem:$0x10E00] =	vst v63  }
0x35: {  	_ =	swait.ge [sflag:s12], $0x80  }
0x36: {  	[sflag:s12] =	ssyncset.done $0x0  }
0x37: {  	[sflag:s12] =	ssyncadd.s32 $0xFFFFFF80  }
0x38: {  	[tilespmem:s13], [sflag:$0x6] =	stream.indirect.gather [hbm4b:s2+s21], $0x80, s4, s21, $0xb8;
	[tilespmem:$0x10E00] =	vst v63  }
0x39: {  	_ =	swait.ge [sflag:s22], $0x80  }
0x3a: {  	[sflag:s22] =	ssyncset.done $0x0  }
0x3b: {  	[sflag:s22] =	ssyncadd.s32 $0xFFFFFF80  }
0x3c: {  	v0 =	vld [tilespmem:$0x80]  }
0x3d: {  	v1 =	vld [tilespmem:$0x90]  }
0x3e: {  	v2 =	vld [tilespmem:$0xA0]  }
.Ltmp2:
0x3f: {  	v3 =	vld [tilespmem:$0xB0];
	(pc) =	sbr.rel .LBB2_2-.Ltmp2, $4  }
0x40: {  	v4 =	vld [tilespmem:$0xC0]  }
0x41: {  	v5 =	vld [tilespmem:$0xD0]  }
0x42: {  	s29 =	simm.s32 $0x0;
	s25 =	simm.s32 @!p0 $0x21;
	v6 =	vld [tilespmem:$0xE0]  }
0x43: {  	s26 =	simm.s32 $0x700;
	s28 =	simm.s32 $0x10B80;
	s25 =	simm.s32 @p0 $0x20;
	v7 =	vld [tilespmem:$0xF0]  }
.LBB2_10:
0x44: {  	s30 =	simm.s32 $0x3  }
.LBB2_11:
0x45: {  	_ =	swait.ge [sflag:s30], $0x4000  }
0x46: {  	[sflag:s30] =	ssyncset.done $0x0  }
0x47: {  	[sflag:s30] =	ssyncadd.s32 $0xFFFFC000  }
.LBB2_12:
0x48: {  	v8 =	vld [tilespmem:s26+$0xFFFFFC00]  }
0x49: {  	v9 =	vld [tilespmem:s26+$0xFFFFFC10]  }
0x4a: {  	v10 =	vld [tilespmem:s26+$0xFFFFFC20]  }
0x4b: {  	v11 =	vld [tilespmem:s26+$0xFFFFFC30]  }
0x4c: {  	v12 =	vld [tilespmem:s26+$0xFFFFFC40]  }
0x4d: {  	v13 =	vld [tilespmem:s26+$0xFFFFFC50]  }
0x4e: {  	v14 =	vld [tilespmem:s26+$0xFFFFFC60]  }
0x4f: {  	v15 =	vld [tilespmem:s26+$0xFFFFFC70]  }
0x50: {  	v16 =	vld [tilespmem:s26+$0xFFFFFC80]  }
0x51: {  	v17 =	vld [tilespmem:s26+$0xFFFFFC90]  }
0x52: {  	v18 =	vld [tilespmem:s26+$0xFFFFFCA0]  }
0x53: {  	v19 =	vld [tilespmem:s26+$0xFFFFFCB0]  }
0x54: {  	v20 =	vld [tilespmem:s26+$0xFFFFFCC0]  }
0x55: {  	v21 =	vld [tilespmem:s26+$0xFFFFFCD0]  }
0x56: {  	v22 =	vld [tilespmem:s26+$0xFFFFFCE0]  }
0x57: {  	v23 =	vld [tilespmem:s26+$0xFFFFFCF0]  }
0x58: {  	v24 =	vld [tilespmem:s26+$0xFFFFFD00]  }
0x59: {  	v25 =	vld [tilespmem:s26+$0xFFFFFD10]  }
0x5a: {  	v26 =	vld [tilespmem:s26+$0xFFFFFD20]  }
0x5b: {  	v27 =	vld [tilespmem:s26+$0xFFFFFD30]  }
0x5c: {  	v28 =	vld [tilespmem:s26+$0xFFFFFD40]  }
0x5d: {  	v29 =	vld [tilespmem:s26+$0xFFFFFD50]  }
0x5e: {  	v30 =	vld [tilespmem:s26+$0xFFFFFD60]  }
0x5f: {  	v31 =	vld [tilespmem:s26+$0xFFFFFD70]  }
0x60: {  	v32 =	vld [tilespmem:s26+$0xFFFFFD80]  }
0x61: {  	v33 =	vld [tilespmem:s26+$0xFFFFFD90]  }
0x62: {  	v34 =	vld [tilespmem:s26+$0xFFFFFDA0]  }
0x63: {  	v35 =	vld [tilespmem:s26+$0xFFFFFDB0]  }
0x64: {  	v36 =	vld [tilespmem:s26+$0xFFFFFDC0]  }
0x65: {  	v37 =	vld [tilespmem:s26+$0xFFFFFDD0]  }
0x66: {  	v38 =	vld [tilespmem:s26+$0xFFFFFDE0]  }
0x67: {  	v39 =	vld [tilespmem:s26+$0xFFFFFDF0]  }
0x68: {  	v40 =	vld [tilespmem:s26+$0xFFFFFE00]  }
0x69: {  	v41 =	vld [tilespmem:s26+$0xFFFFFE10]  }
0x6a: {  	v42 =	vld [tilespmem:s26+$0xFFFFFE20]  }
0x6b: {  	v43 =	vld [tilespmem:s26+$0xFFFFFE30]  }
0x6c: {  	v44 =	vld [tilespmem:s26+$0xFFFFFE40]  }
0x6d: {  	v45 =	vld [tilespmem:s26+$0xFFFFFE50]  }
0x6e: {  	v46 =	vld [tilespmem:s26+$0xFFFFFE60]  }
0x6f: {  	v47 =	vld [tilespmem:s26+$0xFFFFFE70]  }
0x70: {  	v48 =	vld [tilespmem:s26+$0xFFFFFE80]  }
0x71: {  	v49 =	vld [tilespmem:s26+$0xFFFFFE90]  }
0x72: {  	v50 =	vld [tilespmem:s26+$0xFFFFFEA0]  }
0x73: {  	v51 =	vld [tilespmem:s26+$0xFFFFFEB0]  }
0x74: {  	v52 =	vld [tilespmem:s26+$0xFFFFFEC0]  }
0x75: {  	v53 =	vld [tilespmem:s26+$0xFFFFFED0]  }
0x76: {  	v54 =	vld [tilespmem:s26+$0xFFFFFEE0]  }
0x77: {  	v55 =	vld [tilespmem:s26+$0xFFFFFEF0]  }
0x78: {  	v56 =	vld [tilespmem:s26+$0xFFFFFF00]  }
0x79: {  	v57 =	vld [tilespmem:s26+$0xFFFFFF10]  }
0x7a: {  	v58 =	vld [tilespmem:s26+$0xFFFFFF20];
	v8 =	vmul.f32 v8, v0;
	v9 =	vmul.f32 v9, v1  }
0x7b: {  	v10 =	vmul.f32 v10, v2;
	v60 =	vmul.f32 v19, v3;
	v19 =	vld [tilespmem:s26+$0xFFFFFF40]  }
0x7c: {  	v11 =	vmul.f32 v11, v3;
	v62 =	vmul.f32 v21, v5;
	v21 =	vld [tilespmem:s26+$0xFFFFFF50]  }
0x7d: {  	v12 =	vmul.f32 v12, v4;
	v59 =	vmul.f32 v23, v7;
	v23 =	vld [tilespmem:s26+$0xFFFFFF60]  }
0x7e: {  	v14 =	vmul.f32 v14, v6;
	v61 =	vmul.f32 v20, v4;
	v20 =	vld [tilespmem:s26+$0xFFFFFFB0]  }
0x7f: {  	v15 =	vmul.f32 v15, v7;
	v63 =	vmul.f32 v22, v6;
	v22 =	vld [tilespmem:s26+$0xFFFFFFC0]  }
0x80: {  	v8 =	vadd.f32 v9, v8;
	v9 =	vmul.f32 v16, v0;
	v16 =	vmul.f32 v17, v1;
	v17 =	vld [tilespmem:s26+$0xFFFFFF30]  }
0x81: {  	v13 =	vmul.f32 v13, v5;
	v10 =	vadd.f32 v11, v10;
	v11 =	vmul.f32 v18, v2;
	v18 =	vld [tilespmem:s26+$0xFFFFFF80]  }
0x82: {  	v14 =	vadd.f32 v15, v14;
	v15 =	vadd.f32 v59, v63;
	v59 =	vmul.f32 v27, v3;
	v27 =	vld [tilespmem:s26+$0x30]  }
0x83: {  	v12 =	vadd.f32 v13, v12;
	v63 =	vmul.f32 v25, v1;
	v25 =	vmul.f32 v40, v0;
	v40 =	vld [tilespmem:s26+$0x70]  }
0x84: {  	v13 =	vadd.f32 v62, v61;
	v9 =	vadd.f32 v16, v9;
	v16 =	vld [tilespmem:s26+$0xFFFFFF70]  }
0x85: {  	v62 =	vmul.f32 v24, v0;
	v11 =	vadd.f32 v60, v11;
	v60 =	vadd.f32 v14, v12;
	v14 =	vld [tilespmem:s26+$0xFFFFFF90]  }
0x86: {  	v61 =	vadd.f32 v15, v13;
	v15 =	vld [tilespmem:s26+$0xFFFFFFA0]  }
0x87: {  	v8 =	vadd.f32 v10, v8;
	v10 =	vadd.f32 v63, v62;
	v63 =	vmul.f32 v31, v7;
	v31 =	vld [tilespmem:s26+$0x0]  }
0x88: {  	v62 =	vmul.f32 v30, v6;
	v30 =	vld [tilespmem:s26+$0x40]  }
0x89: {  	v19 =	vmul.f32 v19, v4;
	v9 =	vadd.f32 v11, v9;
	v11 =	vmul.f32 v26, v2;
	v26 =	vld [tilespmem:s26+$0xFFFFFFD0]  }
0x8a: {  	v21 =	vmul.f32 v21, v5;
	v8 =	vadd.f32 v60, v8;
	v60 =	vmul.f32 v28, v4;
	v28 =	vld [tilespmem:s26+$0xFFFFFFE0]  }
0x8b: {  	v23 =	vmul.f32 v23, v6;
	v12 =	vadd.f32 v63, v62;
	v62 =	vmul.f32 v35, v3;
	v35 =	vld [tilespmem:s26+$0x20]  }
0x8c: {  	v63 =	vmul.f32 v36, v4;
	v36 =	vmul.f32 v37, v5;
	v19 =	vadd.f32 v21, v19;
	v21 =	vld [tilespmem:s26+$0x150]  }
0x8d: {  	v18 =	vmul.f32 v18, v0;
	v9 =	vadd.f32 v61, v9;
	v61 =	vmul.f32 v29, v5;
	v29 =	vld [tilespmem:s26+$0xFFFFFFF0]  }
0x8e: {  	v11 =	vadd.f32 v59, v11;
	v59 =	vmul.f32 v32, v0;
	v32 =	vmul.f32 v41, v1;
	v41 =	vld [tilespmem:s26+$0x80]  }
0x8f: {  	v16 =	vmul.f32 v16, v7;
	v13 =	vadd.f32 v61, v60;
	v60 =	vmul.f32 v33, v1;
	v33 =	vld [tilespmem:s26+$0x10]  }
0x90: {  	v14 =	vmul.f32 v14, v1;
	v61 =	vmul.f32 v34, v2;
	v10 =	vadd.f32 v11, v10;
	v34 =	vld [tilespmem:s26+$0x50]  }
0x91: {  	v11 =	vadd.f32 v36, v63;
	v36 =	vmul.f32 v42, v2;
	v63 =	vmul.f32 v47, v7;
	v47 =	vld [tilespmem:s26+$0xB0]  }
0x92: {  	v25 =	vadd.f32 v32, v25;
	v32 =	vmul.f32 v48, v0;
	v42 =	vmul.f32 v49, v1;
	v49 =	vld [tilespmem:s26+$0xC0]  }
0x93: {  	v48 =	vmul.f32 v56, v0;
	v56 =	vmul.f32 v31, v0;
	v31 =	vld [tilespmem:s26+$0x1B0]  }
0x94: {  	v37 =	vmul.f32 v38, v6;
	v38 =	vmul.f32 v39, v7;
	v16 =	vadd.f32 v16, v23;
	v23 =	vld [tilespmem:s26+$0x160]  }
0x95: {  	v14 =	vadd.f32 v14, v18;
	v18 =	vld [tilespmem:s26+$0x190]  }
0x96: {  	v12 =	vadd.f32 v12, v13;
	v13 =	vadd.f32 v38, v37;
	v38 =	vld [tilespmem:s26+$0x60]  }
0x97: {  	v20 =	vmul.f32 v20, v3;
	v24 =	vadd.f32 v60, v59;
	v59 =	vmul.f32 v43, v3;
	v43 =	vld [tilespmem:s26+$0x90]  }
0x98: {  	v22 =	vmul.f32 v22, v4;
	v39 =	vadd.f32 v62, v61;
	v61 =	vmul.f32 v45, v5;
	v45 =	vld [tilespmem:s26+$0xA0]  }
0x99: {  	v17 =	vmul.f32 v17, v3;
	v60 =	vmul.f32 v44, v4;
	v32 =	vadd.f32 v42, v32;
	v42 =	vld [tilespmem:s26+$0xD0]  }
0x9a: {  	v62 =	vmul.f32 v46, v6;
	v37 =	vmul.f32 v50, v2;
	v44 =	vld [tilespmem:s26+$0xE0];
	v13 =	vadd.f32 v13, v11  }
0x9b: {  	v46 =	vld [tilespmem:s26+$0x110];
	v11 =	vadd.f32 v12, v10;
	v36 =	vadd.f32 v59, v36;
	v59 =	vmul.f32 v51, v3  }
0x9c: {  	v12 =	vadd.f32 v61, v60;
	v60 =	vmul.f32 v52, v4;
	v52 =	vmul.f32 v26, v5;
	v26 =	vld [tilespmem:s26+$0x170]  }
0x9d: {  	v24 =	vadd.f32 v39, v24;
	v51 =	vmul.f32 v58, v2;
	v58 =	vmul.f32 v35, v2;
	v35 =	vld [tilespmem:s26+$0x1E0]  }
0x9e: {  	v50 =	vmul.f32 v57, v1;
	v57 =	vmul.f32 v33, v1;
	v33 =	vld [tilespmem:s26+$0x1C0]  }
0x9f: {  	v15 =	vmul.f32 v15, v2;
	v10 =	vadd.f32 v13, v24;
	v25 =	vadd.f32 v36, v25;
	v36 =	vld [tilespmem:s26+$0xF0]  }
0xa0: {  	v13 =	vadd.f32 v63, v62;
	v62 =	vmul.f32 v54, v6;
	v54 =	vmul.f32 v29, v7;
	v29 =	vld [tilespmem:s26+$0x180]  }
0xa1: {  	v27 =	vmul.f32 v27, v3;
	v63 =	vmul.f32 v55, v7;
	v55 =	vadd.f32 v52, v22;
	v22 =	vld [tilespmem:s26+$0x1A0]  }
0xa2: {  	v15 =	vadd.f32 v20, v15;
	v37 =	vadd.f32 v59, v37;
	v59 =	vmul.f32 v30, v4;
	v30 =	vld [tilespmem:s26+$0x1D0]  }
0xa3: {  	v61 =	vmul.f32 v53, v5;
	v17 =	vadd.f32 v17, v51;
	v51 =	vmul.f32 v47, v3;
	v47 =	vld [tilespmem:s26+$0x2D0]  }
0xa4: {  	v16 =	vadd.f32 v16, v19;
	v53 =	vmul.f32 v28, v6;
	v32 =	vadd.f32 v37, v32;
	v37 =	vld [tilespmem:s26+$0x100]  }
0xa5: {  	v39 =	vadd.f32 v61, v60;
	v24 =	vadd.f32 v63, v62;
	v62 =	vmul.f32 v40, v7;
	v40 =	vld [tilespmem:s26+$0x1F0]  }
0xa6: {  	v21 =	vmul.f32 v21, v5;
	v12 =	vadd.f32 v13, v12;
	v19 =	vadd.f32 v54, v53;
	v53 =	vld [tilespmem:s26+$0x210]  }
0xa7: {  	v60 =	vmul.f32 v34, v5;
	v52 =	vmul.f32 v49, v4;
	v24 =	vadd.f32 v24, v39;
	v39 =	vld [tilespmem:s26+$0x130]  }
0xa8: {  	v13 =	vadd.f32 v12, v25;
	v25 =	vadd.f32 v50, v48;
	v48 =	vmul.f32 v43, v1;
	v43 =	vld [tilespmem:s26+$0x200]  }
0xa9: {  	v23 =	vmul.f32 v23, v6;
	v26 =	vmul.f32 v26, v7;
	v19 =	vadd.f32 v19, v55;
	v55 =	vld [tilespmem:s26+$0x220]  }
0xaa: {  	v15 =	vadd.f32 v15, v14;
	v18 =	vmul.f32 v18, v1;
	v50 =	vmul.f32 v45, v2;
	v45 =	vld [tilespmem:s26+$0x370]  }
0xab: {  	v61 =	vmul.f32 v38, v6;
	v42 =	vmul.f32 v42, v5;
	v23 =	vadd.f32 v26, v23;
	v26 =	vld [tilespmem:s26+$0x300]  }
0xac: {  	v20 =	vadd.f32 v27, v58;
	v54 =	vmul.f32 v44, v6;
	v44 =	vmul.f32 v47, v5;
	v47 =	vld [tilespmem:s26+$0x380]  }
0xad: {  	v63 =	vmul.f32 v41, v0;
	v36 =	vmul.f32 v36, v7;
	v12 =	vadd.f32 v24, v32;
	v32 =	vld [tilespmem:s26+$0x120]  }
0xae: {  	v22 =	vmul.f32 v22, v2;
	v24 =	vld [tilespmem:s26+$0x140];
	v17 =	vadd.f32 v17, v25;
	v15 =	vadd.f32 v19, v15  }
0xaf: {  	v30 =	vmul.f32 v30, v5;
	v25 =	vadd.f32 v57, v56;
	v19 =	vadd.f32 v62, v61;
	v56 =	vld [tilespmem:s26+$0x230]  }
0xb0: {  	v28 =	vadd.f32 v48, v63;
	v27 =	vadd.f32 v51, v50;
	v62 =	vld [tilespmem:s26+$0x280];
	v63 =	vmul.f32 v29, v0  }
0xb1: {  	v29 =	vld [tilespmem:s26+$0x2B0];
	v48 =	vmul.f32 v35, v6;
	v34 =	vadd.f32 v36, v54;
	v58 =	vmul.f32 v37, v0  }
0xb2: {  	v50 =	vld [tilespmem:s26+$0x2E0];
	v49 =	vmul.f32 v40, v7;
	v14 =	vadd.f32 v16, v17;
	v16 =	vadd.f32 v60, v59  }
0xb3: {  	v51 =	vld [tilespmem:s26+$0x2F0];
	v53 =	vmul.f32 v53, v1;
	v17 =	vadd.f32 v42, v52;
	v20 =	vadd.f32 v20, v25  }
0xb4: {  	v36 =	vld [tilespmem:s26+$0x240];
	v57 =	vadd.f32 v27, v28;
	v59 =	vmul.f32 v46, v1;
	v42 =	vmul.f32 v31, v3  }
0xb5: {  	v54 =	vld [tilespmem:s26+$0x310];
	v46 =	vmul.f32 v33, v4;
	v18 =	vadd.f32 v18, v63;
	v61 =	vmul.f32 v39, v3  }
0xb6: {  	v27 =	vld [tilespmem:s26+$0x260];
	v52 =	vmul.f32 v43, v0;
	v55 =	vmul.f32 v55, v2;
	v16 =	vadd.f32 v19, v16  }
0xb7: {  	v28 =	vld [tilespmem:s26+$0x290];
	v17 =	vadd.f32 v34, v17;
	v60 =	vmul.f32 v32, v2;
	v24 =	vmul.f32 v24, v4  }
0xb8: {  	v31 =	vld [tilespmem:s26+$0x2C0];
	v22 =	vadd.f32 v42, v22;
	v38 =	vmul.f32 v56, v3;
	v62 =	vmul.f32 v62, v0  }
0xb9: {  	v63 =	vld [tilespmem:s26+$0x350];
	v29 =	vmul.f32 v29, v3;
	v16 =	vadd.f32 v16, v20;
	v17 =	vadd.f32 v17, v57  }
0xba: {  	v19 =	vld [tilespmem:s26+$0x250];
	v20 =	vadd.f32 v59, v58;
	v18 =	vadd.f32 v22, v18;
	v57 =	vmul.f32 v36, v4  }
0xbb: {  	v34 =	vld [tilespmem:s26+$0x270];
	v22 =	vadd.f32 v53, v52;
	v53 =	vmul.f32 v26, v0;
	v54 =	vmul.f32 v54, v1  }
0xbc: {  	v42 =	vld [tilespmem:s26+$0x360];
	v25 =	vadd.f32 v61, v60;
	v21 =	vadd.f32 v21, v24;
	v59 =	vmul.f32 v27, v6  }
0xbd: {  	v32 =	vld [tilespmem:s26+$0x2A0];
	v28 =	vmul.f32 v28, v1;
	v43 =	vmul.f32 v31, v4  }
0xbe: {  	(xrf2) =	vadd.scan.msk.f32 $0xffff, v8;
	v56 =	vld [tilespmem:s26+$0x320];
	v24 =	vmul.f32 v51, v7;
	v20 =	vadd.f32 v25, v20;
	v21 =	vadd.f32 v23, v21  }
0xbf: {  	(xrf2) =	vadd.scan.msk.f32 $0xffff, v9;
	v58 =	vld [tilespmem:s26+$0x330];
	v25 =	vadd.f32 v30, v46;
	v23 =	vadd.f32 v49, v48;
	v19 =	vmul.f32 v19, v5  }
0xc0: {  	(xrf2) =	vadd.scan.msk.f32 $0xffff, v11;
	v52 =	vld [tilespmem:s26+$0x3C0];
	v11 =	vadd.f32 v54, v53;
	v60 =	vmul.f32 v34, v7;
	v46 =	vmul.f32 v50, v6  }
0xc1: {  	v61 =	vld [tilespmem:s26+$0x340];
	v28 =	vadd.f32 v28, v62;
	v62 =	vmul.f32 v42, v6;
	v23 =	vadd.f32 v23, v25  }
0xc2: {  	v48 =	vld [tilespmem:s26+$0x390];
	v32 =	vmul.f32 v32, v2;
	v20 =	vadd.f32 v21, v20;
	v25 =	vadd.f32 v38, v55  }
0xc3: {  	v49 =	vld [tilespmem:s26+$0x3A0];
	v56 =	vmul.f32 v56, v2;
	v19 =	vadd.f32 v19, v57;
	v21 =	vadd.f32 v44, v43  }
0xc4: {  	v50 =	vld [tilespmem:s26+$0x3B0];
	v24 =	vadd.f32 v24, v46;
	v57 =	vmul.f32 v58, v3;
	v29 =	vadd.f32 v29, v32  }
0xc5: {  	v55 =	vld [tilespmem:s26+$0x3D0];
	v32 =	vmul.f32 v52, v4;
	v18 =	vadd.f32 v23, v18;
	v23 =	vadd.f32 v60, v59  }
0xc6: {  	(xrf2) =	vadd.scan.msk.f32 $0xffff, v10;
	v58 =	vld [tilespmem:s26+$0x3E0];
	v8 =	vadd.f32 v25, v22;
	v21 =	vadd.f32 v24, v21;
	v59 =	vmul.f32 v61, v4  }
0xc7: {  	(xrf2) =	vadd.scan.msk.f32 $0xffff, v13;
	v60 =	vmul.f32 v63, v5;
	v61 =	vld [tilespmem:s26+$0x3F0];
	v10 =	vadd.f32 v57, v56;
	v63 =	vmul.f32 v45, v7  }
0xc8: {  	(xrf2) =	vadd.scan.msk.f32 $0xffff, v12;
	v51 =	vadd.f32 v29, v28;
	v28 =	vmul.f32 v47, v0;
	v29 =	vmul.f32 v48, v1  }
0xc9: {  	(xrf2) =	vadd.scan.msk.f32 $0xffff, v14;
	v30 =	vmul.f32 v49, v2;
	v19 =	vadd.f32 v23, v19;
	v13 =	vadd.f32 v60, v59  }
0xca: {  	(xrf2) =	vadd.scan.msk.f32 $0xffff, v15;
	v31 =	vmul.f32 v50, v3;
	v12 =	vadd.f32 v63, v62;
	v10 =	vadd.f32 v10, v11  }
0xcb: {  	(xrf2) =	vadd.scan.msk.f32 $0xffff, v16;
	v9 =	vadd.f32 v21, v51;
	v33 =	vmul.f32 v55, v5;
	v34 =	vmul.f32 v58, v6  }
0xcc: {  	(xrf2) =	vadd.scan.msk.f32 $0xffff, v17;
	v14 =	vadd.f32 v29, v28;
	v15 =	vadd.f32 v31, v30;
	v35 =	vmul.f32 v61, v7  }
0xcd: {  	v36, _, _ =	vpop (xrf2);
	(xrf2) =	vadd.scan.msk.f32 $0xffff, v20;
	v8 =	vadd.f32 v19, v8;
	v12 =	vadd.f32 v12, v13  }
0xce: {  	v37, _, _ =	vpop (xrf2);
	(xrf2) =	vadd.scan.msk.f32 $0xffff, v18;
	v11 =	vadd.f32 v33, v32;
	v13 =	vadd.f32 v35, v34  }
0xcf: {  	v39 =	vbroadcast v37, $0xF;
	v38, _, _ =	vpop (xrf2);
	(xrf2) =	vadd.scan.msk.f32 $0xffff, v8;
	v8 =	vbroadcast v36, $0xF;
	v10 =	vadd.f32 v12, v10  }
0xd0: {  	v40, _, _ =	vpop (xrf2);
	v41 =	vbroadcast v38, $0xF;
	v14 =	vadd.f32 v15, v14;
	(xrf2) =	vadd.scan.msk.f32 $0xffff, v9;
	v11 =	vadd.f32 v13, v11  }
0xd1: {  	v42, _, _ =	vpop (xrf2);
	v12 =	vbroadcast v40, $0xF;
	v8 =	vsel vm0, v8, v39;
	(xrf2) =	vadd.scan.msk.f32 $0xffff, v10  }
0xd2: {  	v43, _, _ =	vpop (xrf2);
	v44 =	vbroadcast v42, $0xF;
	v8 =	vsel vm1, v8, v41;
	v11 =	vadd.f32 v11, v14  }
0xd3: {  	v45, _, _ =	vpop (xrf2);
	v10 =	vbroadcast v43, $0xF;
	v8 =	vsel vm2, v8, v12  }
0xd4: {  	v46 =	vbroadcast v45, $0xF;
	v47, _, _ =	vpop (xrf2);
	v8 =	vsel vm3, v8, v44;
	(xrf2) =	vadd.scan.msk.f32 $0xffff, v11  }
0xd5: {  	v49 =	vbroadcast v47, $0xF;
	v48, _, _ =	vpop (xrf2);
	v8 =	vsel vm4, v8, v10  }
0xd6: {  	v50, _, _ =	vpop (xrf2);
	v51 =	vbroadcast v48, $0xF;
	v8 =	vsel vm5, v8, v46  }
0xd7: {  	v53 =	vbroadcast v50, $0xF;
	v52, _, _ =	vpop (xrf2);
	v8 =	vsel vm6, v8, v49  }
0xd8: {  	v55 =	vbroadcast v52, $0xF;
	v54, _, _ =	vpop (xrf2);
	v8 =	vsel vm7, v8, v51  }
0xd9: {  	v57 =	vbroadcast v54, $0xF;
	v56, _, _ =	vpop (xrf2);
	v8 =	vsel vm8, v8, v53  }
0xda: {  	v58, _, _ =	vpop (xrf2);
	v8 =	vsel vm9, v8, v55;
	v59 =	vbroadcast v56, $0xF  }
0xdb: {  	v60, _, _ =	vpop (xrf2);
	v8 =	vsel vm10, v8, v57;
	v61 =	vbroadcast v58, $0xF  }
0xdc: {  	v8 =	vsel vm11, v8, v59;
	v62 =	vbroadcast v60, $0xF  }
0xdd: {  	v8 =	vsel vm12, v8, v61  }
0xde: {  	v8 =	vsel vm13, v8, v62;
	v63, _, _ =	vpop (xrf2)  }
0xdf: {  	v8 =	vsel vm14, v8, v63  }
0xe0: {  	v8 =	vsub.f32 $0.0e+00, v8;
	_ =	sdelay $0x1  }
0xe1: {  	v8 =	vmul.f32 $1.442695020e+00, v8;
	_ =	sdelay $0x1  }
0xe2: {  	(erf) = vpow2.f32 v8;
	_ =	sdelay $0x8  }
0xe3: {  	v8 =	vpop (erf)  }
0xe4: {  	v8 =	vadd.f32 $1.000000000e+00, v8;
	_ =	sdelay $0x1  }
0xe5: {  	(erf) = vrcp.f32 v8;
	_ =	sdelay $0x3  }
0xe6: {  	s29 =	sadd.s32 $0x1, s29  }
0xe7: {  	p1 =	sne.s32 s25, s29  }
.Ltmp3:
0xe8: {  	_ = 	snop;
	(pc) =	sbr.rel @!p1 .LBB2_13-.Ltmp3, $3  }
0xe9: {  	_ =	sdelay $0x1  }
0xea: {  	v8 =	vpop (erf)  }
0xeb: {  	s26 =	sadd.s32 $0x800, s26;
	[tilespmem:s28+$0x0] =	vst v8;
	s28 =	sadd.s32 $0x10, s28  }
.LBB2_2:
0xec: {  	p1 =	sgt.s32 s29, $0xF  }
.Ltmp4:
0xed: {  	_ = 	snop;
	(pc) =	sbr.rel @p1 .LBB2_5-.Ltmp4, $1  }
0xee: {  	_ =	sdelay $0x3  }
0xef: {  	p1 =	seq.s32 s29, $0x0  }
.Ltmp5:
0xf0: {  	_ = 	snop;
	(pc) =	sbr.rel @p1 .LBB2_4-.Ltmp5, $1  }
0xf1: {  	_ =	sdelay $0x3  }
0xf2: {  	p1 =	seq.s32 s29, $0x8  }
.Ltmp6:
0xf3: {  	_ = 	snop;
	(pc) =	sbr.rel @!p1 .LBB2_12-.Ltmp6, $1  }
0xf4: {  	_ =	sdelay $0x3  }
.Ltmp7:
0xf5: {  	(pc) =	sbr.rel .LBB2_11-.Ltmp7, $2  }
0xf6: {  	_ =	sdelay $0x2  }
0xf7: {  	s30 =	simm.s32 $0x2  }
.LBB2_5:
0xf8: {  	p1 =	seq.s32 s29, $0x10  }
.Ltmp8:
0xf9: {  	_ = 	snop;
	(pc) =	sbr.rel @p1 .LBB2_10-.Ltmp8, $1  }
0xfa: {  	_ =	sdelay $0x3  }
0xfb: {  	p1 =	seq.s32 s29, $0x18  }
.Ltmp9:
0xfc: {  	_ = 	snop;
	(pc) =	sbr.rel @!p1 .LBB2_12-.Ltmp9, $1  }
0xfd: {  	_ =	sdelay $0x3  }
.Ltmp10:
0xfe: {  	(pc) =	sbr.rel .LBB2_11-.Ltmp10, $2  }
0xff: {  	_ =	sdelay $0x2  }
0x100: {  	s30 =	simm.s32 $0x4  }
.LBB2_4:
.Ltmp11:
0x101: {  	(pc) =	sbr.rel .LBB2_11-.Ltmp11, $2  }
0x102: {  	_ =	sdelay $0x2  }
0x103: {  	s30 =	simm.s32 $0x1  }
.LBB2_14:
0x104: {  	_ =	sfence.sel $0x180000  }
0x105: {  	[bflag:$0x0] =	sbarrier.arrive $0xFFFF  }
0x106: {  	p0 =	sne.s32 s5, $0x0;
	_ =	strace $0x90000047  }
0x107: {  	s0 =	sadd.s32 @!p0 $0x100000, s1;
	[bflag:$0x2] =	sbarrier.arrive $0xFFFF  }
0x108: {  	[sflag:s0] =	ssyncadd.tile.s32 @!p0 $0x1;
	_ =	shalt  }
.Lfunc_end2:
_tile_overlayer_lowered:
.L_overlay_start_2:
0x109: {  	(tag) =	ssettag $0x2  }
0x10a: {  	s0 =	rddreg [dreg:$0x0];
	s2 =	stileid.u32  }
0x10b: {  	s1 =	rddreg [dreg:$0x1];
	p0 =	sne.s32 s2, $0x0  }
0x10c: {  	s3 =	rddreg [dreg:$0x2];
	[bflag:$0x3] =	sbarrier.arrive $0xFFFF;
	s2 =	simm.s32 @!p0 $0x1C07  }
0x10d: {  	[timem:s3], [sflag:s2] =	dma.local @!p0 [hbm:s0], s1  }
0x10e: {  	s0 =	simm.s32 @!p0 $0x7  }
0x10f: {  	_ =	swait.ge @!p0 [sflag:s0], s1  }
0x110: {  	s1 =	ssub.s32 @!p0 $0x0, s1;
	[sflag:s0] =	ssyncset.done @!p0 $0x0  }
0x111: {  	[sflag:s0] =	ssyncadd.s32 @!p0 s1  }
0x112: {  	[bflag:$0x3] =	sbarrier.arrive $0xFFFF  }
0x113: {  	_ =	shalt  }

</sc_bundles>
